<compile_context>
chip_gen: v7x
topology: tpu7x:2x2x1
jax: 0.10.2.dev20260603
libtpu: 0.0.44.dev20260713+nightly
codegen_flags: <defaults>
</compile_context>

<pallas_src>
import functools

import jax
import jax.numpy as jnp
from jax import lax
from jax.experimental import pallas as pl
from jax.experimental.pallas import tpu as pltpu
from jax.experimental.pallas import tpu_sc as plsc

_B, _NPB, _D, _R, _K = 4, 4096, 128, 0.2, 64
_S_PB = 1024
_S = _B * _S_PB
_E = _S * _K
_R2 = _R * _R
_NBUCKET = 4096
_GRP = 128
_NW = 32
_RPW = _S // _NW



def _fps_body(xs_ref, ys_ref, zs_ref, sel_ref, qx_ref, qy_ref, qz_ref):
    xs = xs_ref[...]
    ys = ys_ref[...]
    zs = zs_ref[...]
    lane = jax.lax.broadcasted_iota(jnp.int32, (_B, _NPB), 1)
    lane_g = jax.lax.broadcasted_iota(jnp.int32, (_B, _GRP), 1)

    def inner(j, carry):
        dists, last, bsel, bx, by, bz = carry
        mask = lane == last
        zero = jnp.zeros((), jnp.float32)
        lx = jnp.sum(jnp.where(mask, xs, zero), axis=1, keepdims=True)
        ly = jnp.sum(jnp.where(mask, ys, zero), axis=1, keepdims=True)
        lz = jnp.sum(jnp.where(mask, zs, zero), axis=1, keepdims=True)
        dx = xs - lx
        dy = ys - ly
        dz = zs - lz
        d = (dx * dx + dy * dy) + dz * dz
        dists = jnp.minimum(dists, d)
        slot = lane_g == j
        bsel = jnp.where(slot, last, bsel)
        bx = jnp.where(slot, lx, bx)
        by = jnp.where(slot, ly, by)
        bz = jnp.where(slot, lz, bz)
        m = jnp.max(dists, axis=1, keepdims=True)
        nxt = jnp.min(jnp.where(dists == m, lane, jnp.int32(_NPB)), axis=1, keepdims=True)
        return (dists, nxt, bsel, bx, by, bz)

    def outer(g, carry):
        dists, last = carry
        bsel = jnp.zeros((_B, _GRP), jnp.int32)
        bx = jnp.zeros((_B, _GRP), jnp.float32)
        by = jnp.zeros((_B, _GRP), jnp.float32)
        bz = jnp.zeros((_B, _GRP), jnp.float32)
        dists, last, bsel, bx, by, bz = jax.lax.fori_loop(
            0, _GRP, inner, (dists, last, bsel, bx, by, bz))
        off = pl.multiple_of(g * _GRP, _GRP)
        sel_ref[:, pl.ds(off, _GRP)] = bsel
        qx_ref[:, pl.ds(off, _GRP)] = bx
        qy_ref[:, pl.ds(off, _GRP)] = by
        qz_ref[:, pl.ds(off, _GRP)] = bz
        return (dists, last)

    init = (jnp.full((_B, _NPB), jnp.inf, jnp.float32), jnp.zeros((_B, 1), jnp.int32))
    jax.lax.fori_loop(0, _S_PB // _GRP, outer, init)


def _fps_pallas(xs, ys, zs):
    return pl.pallas_call(
        _fps_body,
        out_shape=[
            jax.ShapeDtypeStruct((_B, _S_PB), jnp.int32),
            jax.ShapeDtypeStruct((_B, _S_PB), jnp.float32),
            jax.ShapeDtypeStruct((_B, _S_PB), jnp.float32),
            jax.ShapeDtypeStruct((_B, _S_PB), jnp.float32),
        ],
    )(xs, ys, zs)



_QB = 256


def _bf(v):
    return v.astype(jnp.bfloat16).astype(jnp.float32)


def _keys_body(qx_ref, qy_ref, qz_ref, xs_ref, ys_ref, zs_ref, keys_ref):
    qx = qx_ref[0]
    qy = qy_ref[0]
    qz = qz_ref[0]
    xs = xs_ref[0]
    ys = ys_ref[0]
    zs = zs_ref[0]
    qq = (qx * qx + qy * qy) + qz * qz
    pp = (xs * xs + ys * ys) + zs * zs
    dot = ((_bf(qx) * _bf(xs) + _bf(qy) * _bf(ys)) + _bf(qz) * _bf(zs))
    d2 = jnp.maximum((qq + pp) - 2.0 * dot, 0.0)
    keys_ref[0] = jnp.where(d2 <= _R2, d2, jnp.inf)


def _keys_pallas(qxc, qyc, qzc, xs, ys, zs):
    grid = (_B, _S_PB // _QB)
    qspec = pl.BlockSpec((1, _QB, 1), lambda b, j: (b, j, 0))
    pspec = pl.BlockSpec((1, 1, _NPB), lambda b, j: (b, 0, 0))
    return pl.pallas_call(
        _keys_body,
        grid=grid,
        in_specs=[qspec, qspec, qspec, pspec, pspec, pspec],
        out_specs=pl.BlockSpec((1, _QB, _NPB), lambda b, j: (b, j, 0)),
        out_shape=jax.ShapeDtypeStruct((_B, _S_PB, _NPB), jnp.float32),
    )(qxc, qyc, qzc, xs[:, None, :], ys[:, None, :], zs[:, None, :])



_XB = 512


def _xw_body(x_ref, w_ref, b_ref, o_ref):
    xb = x_ref[...].astype(jnp.bfloat16)
    wb = w_ref[...].astype(jnp.bfloat16)
    o_ref[...] = jnp.dot(xb, wb, preferred_element_type=jnp.float32) + b_ref[...]


def _xw_pallas(x, W1x, b1):
    n = x.shape[0]
    return pl.pallas_call(
        _xw_body,
        grid=(n // _XB,),
        in_specs=[
            pl.BlockSpec((_XB, _D), lambda i: (i, 0)),
            pl.BlockSpec((_D, _D), lambda i: (0, 0)),
            pl.BlockSpec((1, _D), lambda i: (0, 0)),
        ],
        out_specs=pl.BlockSpec((_XB, _D), lambda i: (i, 0)),
        out_shape=jax.ShapeDtypeStruct((n, _D), jnp.float32),
    )(x, W1x, b1.reshape(1, _D))



_NHB = 256
_SCALE = float(_NHB) / _R2
_CCH = 32


def _lane16():
    return jax.lax.broadcasted_iota(jnp.int32, (16,), 0)


def _sc_body(keys_hbm, xw_hbm, xs_hbm, ys_hbm, zs_hbm, wt_hbm, bt_hbm,
             qx_hbm, qy_hbm, qz_hbm, sel_hbm,
             xg_hbm, rel_hbm, nsel_hbm, wq_hbm, bq_hbm,
             keysrow, hist, selbuf, candkey, candidx, bndkey, bndidx,
             xsb, ysb, zsb, qxr, qyr, qzr, selr, gidx, xgbuf, relflat,
             nselbuf, wqbuf, bqbuf, wtb, btb, sem):
    wid = lax.axis_index("s") * 2 + lax.axis_index("c")
    b = wid // 8
    row0 = wid * _RPW
    lane = _lane16()
    ones = jnp.ones((16,), jnp.int32)
    zeros16f = jnp.zeros((16,), jnp.float32)
    zeros16i = jnp.zeros((16,), jnp.int32)

    pbase = b * _NPB
    pltpu.sync_copy(xs_hbm.at[pl.ds(pbase, _NPB)], xsb)
    pltpu.sync_copy(ys_hbm.at[pl.ds(pbase, _NPB)], ysb)
    pltpu.sync_copy(zs_hbm.at[pl.ds(pbase, _NPB)], zsb)
    pltpu.sync_copy(wt_hbm.at[pl.ds(pbase, _NPB)], wtb)
    pltpu.sync_copy(bt_hbm.at[pl.ds(pbase, _NPB)], btb)
    pltpu.sync_copy(qx_hbm.at[pl.ds(row0, _RPW)], qxr)
    pltpu.sync_copy(qy_hbm.at[pl.ds(row0, _RPW)], qyr)
    pltpu.sync_copy(qz_hbm.at[pl.ds(row0, _RPW)], qzr)
    pltpu.sync_copy(sel_hbm.at[pl.ds(row0, _RPW)], selr)

    def wq_step(j, _):
        siv = selr[pl.ds(j * 16, 16)]
        wqbuf[pl.ds(j * 16, 16)] = plsc.load_gather(wtb, [siv])
        bqbuf[pl.ds(j * 16, 16)] = plsc.load_gather(btb, [siv])
        return 0

    lax.fori_loop(0, _RPW // 16, wq_step, 0)
    pltpu.sync_copy(wqbuf, wq_hbm.at[pl.ds(row0, _RPW)])
    pltpu.sync_copy(bqbuf, bq_hbm.at[pl.ds(row0, _RPW)])

    def z_rel(i, _):
        relflat[pl.ds(i * 16, 16)] = zeros16f
        return 0

    lax.fori_loop(0, (_K * 8) // 16, z_rel, 0)

    def do_row(ro, ri, nsv):
        r = ro * 16 + ri
        row = row0 + r
        pltpu.sync_copy(keys_hbm.at[pl.ds(row * _NPB, _NPB)], keysrow)

        def z16(i, _):
            hist[pl.ds(i * 16, 16)] = zeros16i
            return 0

        lax.fori_loop(0, 16, z16, 0)

        def p1(i, cnt):
            kv = keysrow[pl.ds(i * 16, 16)]
            m = kv <= _R2
            plsc.store_compressed(candkey.at[pl.ds(cnt, 16)], kv, mask=m)
            plsc.store_compressed(candidx.at[pl.ds(cnt, 16)], i * 16 + lane, mask=m)
            return cnt + jnp.max(plsc.all_reduce_population_count(m))

        nvalid = lax.fori_loop(0, _NPB // 16, p1, jnp.int32(0))

        def p2(i, _):
            kv = candkey[pl.ds(i * 16, 16)]
            mv = (i * 16 + lane) < nvalid
            bi = jnp.minimum((kv * _SCALE).astype(jnp.int32), _NHB - 1)
            bi = jnp.where(mv, bi, 0)
            plsc.addupdate_scatter(hist, [bi], ones, mask=mv)
            return 0

        lax.fori_loop(0, _CCH, p2, 0)

        def cs(ic, carry):
            found, bstar_c, cless, runsum = carry
            ch = hist[pl.ds(ic * 16, 16)]
            pc = plsc.cumsum(ch) + runsum
            mk = pc >= _K
            anyk = jnp.max(mk.astype(jnp.int32))
            l = jnp.max(plsc.all_reduce_ffs(mk))
            pickv = jnp.sum(jnp.where(lane == l, pc - ch, 0))
            upd = (found == 0) & (anyk == 1)
            bstar_c = jnp.where(upd, ic * 16 + l, bstar_c)
            cless = jnp.where(upd, pickv, cless)
            found = jnp.where(upd, 1, found)
            runsum = runsum + jnp.sum(ch)
            return (found, bstar_c, cless, runsum)

        found, bstar_c, cless, _ = lax.fori_loop(
            0, _NHB // 16, cs, (jnp.int32(0), jnp.int32(0), jnp.int32(0), jnp.int32(0)))

        has_b = jnp.where(nvalid > _K, found, 0)
        bstar = jnp.where(has_b == 1, bstar_c, jnp.int32(_NHB))
        need_in = jnp.where(has_b == 1, _K - cless, 0)

        bndkey[pl.ds(0, 16)] = jnp.full((16,), jnp.inf, jnp.float32)
        bndidx[pl.ds(0, 16)] = zeros16i
        selbuf[pl.ds(0, 16)] = zeros16i
        selbuf[pl.ds(16, 16)] = zeros16i
        selbuf[pl.ds(32, 16)] = zeros16i
        selbuf[pl.ds(48, 16)] = zeros16i
        selbuf[pl.ds(64, 16)] = zeros16i

        def p3(i, carry):
            scnt, bcnt = carry
            kv = candkey[pl.ds(i * 16, 16)]
            iv = candidx[pl.ds(i * 16, 16)]
            mv = (i * 16 + lane) < nvalid
            bi = jnp.minimum((kv * _SCALE).astype(jnp.int32), _NHB - 1)
            bi = jnp.where(mv, bi, 0)
            ltm = mv & (bi < bstar)
            eqm = mv & (bi == bstar)
            plsc.store_compressed(selbuf.at[pl.ds(scnt, 16)], iv, mask=ltm)
            plsc.store_compressed(bndkey.at[pl.ds(bcnt, 16)], kv, mask=eqm)
            plsc.store_compressed(bndidx.at[pl.ds(bcnt, 16)], iv, mask=eqm)
            scnt = scnt + jnp.max(plsc.all_reduce_population_count(ltm))
            bcnt = jnp.minimum(bcnt + jnp.max(plsc.all_reduce_population_count(eqm)),
                               jnp.int32(_NPB - 16))
            return (scnt, bcnt)

        cnt, _bcnt = lax.fori_loop(0, _CCH, p3, (jnp.int32(0), jnp.int32(0)))

        ck = bndkey[pl.ds(0, 16)]
        ci = bndidx[pl.ds(0, 16)]
        sk, sv = plsc.sort_key_val(ck, ci)
        t = jnp.sum(jnp.where(lane == need_in - 1, sk, 0.0))
        c_lt_t = jnp.max(plsc.all_reduce_population_count(ck < t))
        rneed = need_in - c_lt_t
        eqm2 = ck == t
        erank = plsc.cumsum(jnp.where(eqm2, 1, 0))
        chosen = (ck < t) | (eqm2 & (erank <= rneed))
        plsc.store_compressed(selbuf.at[pl.ds(cnt, 16)], ci, mask=chosen)
        n_sel = cnt + need_in
        nsv = jnp.where(lane == ri, n_sel, nsv)

        def gstep(c, _):
            siv = selbuf[pl.ds(c * 16, 16)]
            gidx[pl.ds(c * 16, 16)] = siv + pbase
            px = plsc.load_gather(xsb, [siv])
            py = plsc.load_gather(ysb, [siv])
            pz = plsc.load_gather(zsb, [siv])
            qxs = jnp.sum(jnp.where(lane == ri, qxr[pl.ds(ro * 16, 16)], 0.0))
            qys = jnp.sum(jnp.where(lane == ri, qyr[pl.ds(ro * 16, 16)], 0.0))
            qzs = jnp.sum(jnp.where(lane == ri, qzr[pl.ds(ro * 16, 16)], 0.0))
            ppos = (c * 16 + lane) * 8
            plsc.store_scatter(relflat, [ppos], px - qxs)
            plsc.store_scatter(relflat, [ppos + 1], py - qys)
            plsc.store_scatter(relflat, [ppos + 2], pz - qzs)
            return 0

        lax.fori_loop(0, _K // 16, gstep, 0)
        pltpu.async_copy(xw_hbm.at[gidx], xgbuf, sem).wait()
        pltpu.sync_copy(xgbuf, xg_hbm.at[pl.ds(row * _K, _K)])
        pltpu.sync_copy(relflat, rel_hbm.at[pl.ds(row * _K * 8, _K * 8)])
        return nsv

    def outer_rows(ro, _):
        def inner_rows(ri, nsv):
            return do_row(ro, ri, nsv)

        nsv = lax.fori_loop(0, 16, inner_rows, zeros16i)
        nselbuf[pl.ds(ro * 16, 16)] = nsv
        return 0

    lax.fori_loop(0, _RPW // 16, outer_rows, 0)
    pltpu.sync_copy(nselbuf, nsel_hbm.at[pl.ds(row0, _RPW)])


def _sc_pallas(keysf, xw, xsf, ysf, zsf, wtf, btf, qxf, qyf, qzf, self_):
    mesh = plsc.VectorSubcoreMesh(core_axis_name="c", subcore_axis_name="s", num_cores=2, num_subcores=16)
    f32 = jnp.float32
    i32 = jnp.int32
    kern = pl.kernel(
        _sc_body,
        out_type=[
            jax.ShapeDtypeStruct((_E, _D), f32),
            jax.ShapeDtypeStruct((_E * 8,), f32),
            jax.ShapeDtypeStruct((_S,), i32),
            jax.ShapeDtypeStruct((_S,), f32),
            jax.ShapeDtypeStruct((_S,), i32),
        ],
        mesh=mesh,
        compiler_params=pltpu.CompilerParams(needs_layout_passes=False),
        scratch_types=[
            pltpu.VMEM((_NPB,), f32),
            pltpu.VMEM((_NHB,), i32),
            pltpu.VMEM((80,), i32),
            pltpu.VMEM((_NPB + 16,), f32),
            pltpu.VMEM((_NPB + 16,), i32),
            pltpu.VMEM((_NPB,), f32),
            pltpu.VMEM((_NPB,), i32),
            pltpu.VMEM((_NPB,), f32),
            pltpu.VMEM((_NPB,), f32),
            pltpu.VMEM((_NPB,), f32),
            pltpu.VMEM((_RPW,), f32),
            pltpu.VMEM((_RPW,), f32),
            pltpu.VMEM((_RPW,), f32),
            pltpu.VMEM((_RPW,), i32),
            pltpu.VMEM((_K,), i32),
            pltpu.VMEM((_K, _D), f32),
            pltpu.VMEM((_K * 8,), f32),
            pltpu.VMEM((_RPW,), i32),
            pltpu.VMEM((_RPW,), f32),
            pltpu.VMEM((_RPW,), i32),
            pltpu.VMEM((_NPB,), f32),
            pltpu.VMEM((_NPB,), i32),
            pltpu.SemaphoreType.DMA,
        ],
    )
    return kern(keysf, xw, xsf, ysf, zsf, wtf, btf, qxf, qyf, qzf, self_)



_QS = 8


def _mlp_body(nsel_ref, xg_ref, rel_ref, w1r_ref, w2_ref, b2_ref, out_ref):
    j = pl.program_id(0)
    relb = rel_ref[...].astype(jnp.bfloat16)
    w1rb = w1r_ref[...].astype(jnp.bfloat16)
    relw = jnp.dot(relb, w1rb, preferred_element_type=jnp.float32)
    h1 = jnp.maximum(xg_ref[...] + relw, 0.0).astype(jnp.bfloat16)
    w2b = w2_ref[...].astype(jnp.bfloat16)
    h2 = jnp.dot(h1, w2b, preferred_element_type=jnp.float32) + b2_ref[...]
    kio = jax.lax.broadcasted_iota(jnp.int32, (_K, 1), 0)
    for q in range(_QS):
        ns = nsel_ref[j * _QS + q]
        hq = h2[q * _K:(q + 1) * _K, :]
        hqm = jnp.where(kio < ns, hq, jnp.float32(-1e30))
        out_ref[q:q + 1, :] = jnp.max(hqm, axis=0, keepdims=True)


def _mlp_pallas(nsel, xg, rel8, W1r_pad, W2, b2):
    grid = (_S // _QS,)
    eb = _QS * _K
    return pl.pallas_call(
        _mlp_body,
        grid_spec=pltpu.PrefetchScalarGridSpec(
            num_scalar_prefetch=1,
            grid=grid,
            in_specs=[
                pl.BlockSpec((eb, _D), lambda j, ns: (j, 0)),
                pl.BlockSpec((eb, 8), lambda j, ns: (j, 0)),
                pl.BlockSpec((8, _D), lambda j, ns: (0, 0)),
                pl.BlockSpec((_D, _D), lambda j, ns: (0, 0)),
                pl.BlockSpec((1, _D), lambda j, ns: (0, 0)),
            ],
            out_specs=pl.BlockSpec((_QS, _D), lambda j, ns: (j, 0)),
        ),
        out_shape=jax.ShapeDtypeStruct((_S, _D), jnp.float32),
    )(nsel, xg, rel8, W1r_pad, W2, b2.reshape(1, _D))



def kernel(x, pos, batch, weight, W1, b1, W2, b2):
    pos_b = pos.reshape(_B, _NPB, 3)
    xs = pos_b[:, :, 0]
    ys = pos_b[:, :, 1]
    zs = pos_b[:, :, 2]

    sel_local, qx, qy, qz = _fps_pallas(xs, ys, zs)

    keys = _keys_pallas(qx[:, :, None], qy[:, :, None], qz[:, :, None], xs, ys, zs)

    xw = _xw_pallas(x, W1[:_D, :], b1)

    xg, relf, nsel, wq, bq = _sc_pallas(
        keys.reshape(-1), xw,
        xs.reshape(-1), ys.reshape(-1), zs.reshape(-1),
        weight, batch,
        qx.reshape(-1), qy.reshape(-1), qz.reshape(-1),
        sel_local.reshape(-1),
    )

    W1r_pad = jnp.zeros((8, _D), jnp.float32).at[:3, :].set(W1[_D:, :])
    out = _mlp_pallas(nsel, xg, relf.reshape(_E, 8), W1r_pad, W2, b2)

    pos_sel = jnp.stack([qx.reshape(_S), qy.reshape(_S), qz.reshape(_S)], axis=-1)
    return (out, pos_sel, bq, wq)

# --- scband reference (transcript-rebuilt; emitter-appended) ---
"""Pipeline reference for scband-weight-sample-module-4037269258369 (READ-ONLY COPY).

The authoritative reference and input builder live on the scoring server;
editing this copy changes nothing except your own understanding.
"""

import jax, jax.numpy as jnp
import numpy as np

B, NPB, D, RATIO, R, K = 4, 4096, 128, 0.25, 0.2, 64
S_PB = int(NPB * RATIO)

def _fps_single(pts):
    n = pts.shape[0]
    def body(i, carry):
        dists, idxs, last = carry
        d = jnp.sum((pts - pts[last]) ** 2, axis=-1)
        dists = jnp.minimum(dists, d)
        idxs = idxs.at[i].set(last)
        nxt = jnp.argmax(dists).astype(jnp.int32)
        return (dists, idxs, nxt)
    init = (jnp.full((n,), jnp.inf, jnp.float32), jnp.zeros((S_PB,), jnp.int32), jnp.int32(0))
    _, idxs, _ = jax.lax.fori_loop(0, S_PB, body, init)
    return idxs

def _structure(pos):
    pos_b = pos.reshape(B, NPB, 3)
    sel_local = jax.vmap(_fps_single)(pos_b)
    offs = jnp.arange(B, dtype=jnp.int32) * NPB
    sel_global = sel_local + offs[:, None]
    q = jnp.take_along_axis(pos_b, sel_local[:, :, None], axis=1)
    qq = jnp.sum(q * q, -1)
    pp = jnp.sum(pos_b * pos_b, -1)
    d2 = jnp.maximum(qq[:, :, None] + pp[:, None, :] - 2.0 * jnp.einsum('bsd,bnd->bsn', q, pos_b), 0.0)
    neg = jnp.where(d2 <= R * R, -d2, -jnp.inf)
    vals, nbr_local = jax.lax.top_k(neg, K)
    valid = jnp.isfinite(vals)
    nbr_global = nbr_local + offs[:, None, None]
    S = B * S_PB
    return sel_global.reshape(S), nbr_global.reshape(S, K), valid.reshape(S, K)

def setup_inputs(seed: int = 0):
    key = jax.random.key(seed)
    k1, k2, k3, k4, k5 = jax.random.split(key, 5)
    N = B * NPB
    x = jax.random.normal(k1, (N, D), jnp.float32)
    pos = jax.random.uniform(k2, (N, 3), dtype=jnp.float32)
    batch = jnp.repeat(jnp.arange(B, dtype=jnp.int32), NPB)
    weight = jax.random.uniform(k3, (N,), dtype=jnp.float32)
    W1 = jax.random.normal(k4, (D + 3, 128), jnp.float32) * (1.0 / np.sqrt(D + 3))
    b1 = jnp.zeros((128,), jnp.float32)
    W2 = jax.random.normal(k5, (128, 128), jnp.float32) * (1.0 / np.sqrt(128))
    b2 = jnp.zeros((128,), jnp.float32)
    return {"x": x, "pos": pos, "batch": batch, "weight": weight, "W1": W1, "b1": b1, "W2": W2, "b2": b2}

def reference(x, pos, batch, weight, W1, b1, W2, b2):
    sel, nbr, valid = _structure(pos)
    x_n = x[nbr]
    rel = pos[nbr] - pos[sel][:, None, :]
    m = jnp.concatenate([x_n, rel], axis=-1)
    h = jnp.maximum(m @ W1 + b1, 0.0) @ W2 + b2
    h = jnp.where(valid[:, :, None], h, jnp.float32(-1e30))
    out = jnp.max(h, axis=1)
    return (out, pos[sel], batch[sel], weight[sel])

if __name__ == "__main__":
    import jax
    _d = setup_inputs()
    print(jax.jit(kernel)(*tuple(_d.values())))

</pallas_src>

<mosaic_0001>
#map = affine_map<(d0, d1) -> (0)>
#map1 = affine_map<(d0, d1) -> (0, 0)>
module attributes {stable_mosaic.version = 14 : i64} {
  func.func @_sc_body(%arg0: i32, %arg1: i32, %arg2: memref<16777216xf32, #tpu.memory_space<hbm>>, %arg3: memref<16384x128xf32, #tpu.memory_space<hbm>>, %arg4: memref<16384xf32, #tpu.memory_space<hbm>>, %arg5: memref<16384xf32, #tpu.memory_space<hbm>>, %arg6: memref<16384xf32, #tpu.memory_space<hbm>>, %arg7: memref<16384xf32, #tpu.memory_space<hbm>>, %arg8: memref<16384xi32, #tpu.memory_space<hbm>>, %arg9: memref<4096xf32, #tpu.memory_space<hbm>>, %arg10: memref<4096xf32, #tpu.memory_space<hbm>>, %arg11: memref<4096xf32, #tpu.memory_space<hbm>>, %arg12: memref<4096xi32, #tpu.memory_space<hbm>>, %arg13: memref<262144x128xf32, #tpu.memory_space<hbm>>, %arg14: memref<2097152xf32, #tpu.memory_space<hbm>>, %arg15: memref<4096xi32, #tpu.memory_space<hbm>>, %arg16: memref<4096xf32, #tpu.memory_space<hbm>>, %arg17: memref<4096xi32, #tpu.memory_space<hbm>>, %arg18: memref<4096xf32, #tpu.memory_space<vmem>>, %arg19: memref<256xi32, #tpu.memory_space<vmem>>, %arg20: memref<80xi32, #tpu.memory_space<vmem>>, %arg21: memref<4112xf32, #tpu.memory_space<vmem>>, %arg22: memref<4112xi32, #tpu.memory_space<vmem>>, %arg23: memref<4096xf32, #tpu.memory_space<vmem>>, %arg24: memref<4096xi32, #tpu.memory_space<vmem>>, %arg25: memref<4096xf32, #tpu.memory_space<vmem>>, %arg26: memref<4096xf32, #tpu.memory_space<vmem>>, %arg27: memref<4096xf32, #tpu.memory_space<vmem>>, %arg28: memref<128xf32, #tpu.memory_space<vmem>>, %arg29: memref<128xf32, #tpu.memory_space<vmem>>, %arg30: memref<128xf32, #tpu.memory_space<vmem>>, %arg31: memref<128xi32, #tpu.memory_space<vmem>>, %arg32: memref<64xi32, #tpu.memory_space<vmem>>, %arg33: memref<64x128xf32, #tpu.memory_space<vmem>>, %arg34: memref<512xf32, #tpu.memory_space<vmem>>, %arg35: memref<128xi32, #tpu.memory_space<vmem>>, %arg36: memref<128xf32, #tpu.memory_space<vmem>>, %arg37: memref<128xi32, #tpu.memory_space<vmem>>, %arg38: memref<4096xf32, #tpu.memory_space<vmem>>, %arg39: memref<4096xi32, #tpu.memory_space<vmem>>, %arg40: memref<!tpu.dma_semaphore, #tpu.memory_space<semaphore_mem>>) attributes {dimension_semantics = [#tpu.dimension_semantics<core_parallel>, #tpu.dimension_semantics<subcore_parallel>], iteration_bounds = array<i64: 2, 16>, scalar_prefetch = 0 : i64, scratch_operands = 23 : i64, tpu.core_type = #tpu.core_type<sc_vector_subcore>, window_params = [{transform_indices = #map}, {transform_indices = #map1}, {transform_indices = #map}, {transform_indices = #map}, {transform_indices = #map}, {transform_indices = #map}, {transform_indices = #map}, {transform_indices = #map}, {transform_indices = #map}, {transform_indices = #map}, {transform_indices = #map}, {transform_indices = #map1}, {transform_indices = #map}, {transform_indices = #map}, {transform_indices = #map}, {transform_indices = #map}]} {
    %mul3A = arith.constant 2 : i32
    %mul3A_0 = arith.muli %arg1, %mul3A : i32
    %add3A = arith.addi %mul3A_0, %arg0 : i32
    %jit3A = arith.constant 8 : i32
    %div3A = arith.divsi %add3A, %jit3A : i32
    %sign3A = arith.constant 0 : i32
    %sign3A_1 = arith.cmpi sgt, %add3A, %sign3A : i32
    %sign3A_2 = arith.extui %sign3A_1 : i1 to i32
    %sign3A_3 = arith.constant 0 : i32
    %sign3A_4 = arith.cmpi slt, %add3A, %sign3A_3 : i32
    %sign3A_5 = arith.extui %sign3A_4 : i1 to i32
    %sign3A_6 = arith.subi %sign3A_2, %sign3A_5 : i32
    %sign3A_7 = arith.constant 0 : i32
    %sign3A_8 = arith.cmpi sgt, %jit3A, %sign3A_7 : i32
    %sign3A_9 = arith.extui %sign3A_8 : i1 to i32
    %sign3A_10 = arith.constant 0 : i32
    %sign3A_11 = arith.cmpi slt, %jit3A, %sign3A_10 : i32
    %sign3A_12 = arith.extui %sign3A_11 : i1 to i32
    %sign3A_13 = arith.subi %sign3A_9, %sign3A_12 : i32
    %ne3A = arith.cmpi ne, %sign3A_6, %sign3A_13 : i32
    %rem3A = arith.remsi %add3A, %jit3A : i32
    %ne3A_14 = arith.constant 0 : i32
    %ne3A_15 = arith.cmpi ne, %rem3A, %ne3A_14 : i32
    %and3A = arith.andi %ne3A, %ne3A_15 : i1
    %sub3A = arith.constant 1 : i32
    %sub3A_16 = arith.subi %div3A, %sub3A : i32
    %select_n3A = arith.select %and3A, %sub3A_16, %div3A : i32
    %mul3A_17 = arith.constant 128 : i32
    %mul3A_18 = arith.muli %add3A, %mul3A_17 : i32
    %iota3A = tpu.iota {dimensions = array<i32: 0>} : vector<16xi32>
    %broadcast_in_dim3A = arith.constant 1 : i32
    %broadcast_in_dim3A_19 = vector.broadcast %broadcast_in_dim3A : i32 to vector<16xi32>
    %broadcast_in_dim3A_20 = arith.constant 0.000000e+00 : f32
    %broadcast_in_dim3A_21 = vector.broadcast %broadcast_in_dim3A_20 : f32 to vector<16xf32>
    %broadcast_in_dim3A_22 = arith.constant 0 : i32
    %broadcast_in_dim3A_23 = vector.broadcast %broadcast_in_dim3A_22 : i32 to vector<16xi32>
    %mul3A_24 = arith.constant 4096 : i32
    %mul3A_25 = arith.muli %select_n3A, %mul3A_24 : i32
    "tpu.region"() ({
      %run_scoped3A = tpu.sem_alloc : memref<!tpu.dma_semaphore, #tpu.memory_space<semaphore_mem>>
      %dma_start3A = tpu.memref_slice %arg4[%mul3A_25] : memref<16384xf32, #tpu.memory_space<hbm>> -> memref<4096xf32, #tpu.memory_space<hbm>>
      %dma_start3A_46 = tpu.memref_slice %arg4[%mul3A_25] : memref<16384xf32, #tpu.memory_space<hbm>> -> memref<4096xf32, #tpu.memory_space<hbm>>
      tpu.enqueue_dma source(%dma_start3A_46 : memref<4096xf32, #tpu.memory_space<hbm>>) target(%arg25 : memref<4096xf32, #tpu.memory_space<vmem>>) target_semaphore(%run_scoped3A : memref<!tpu.dma_semaphore, #tpu.memory_space<semaphore_mem>>)
      %dma_wait3A = tpu.memref_slice %arg4[%mul3A_25] : memref<16384xf32, #tpu.memory_space<hbm>> -> memref<4096xf32, #tpu.memory_space<hbm>>
      %dma_wait3A_47 = tpu.memref_slice %arg4[%mul3A_25] : memref<16384xf32, #tpu.memory_space<hbm>> -> memref<4096xf32, #tpu.memory_space<hbm>>
      tpu.wait_dma2 semaphore(%run_scoped3A : memref<!tpu.dma_semaphore, #tpu.memory_space<semaphore_mem>>) src(%dma_wait3A_47 : memref<4096xf32, #tpu.memory_space<hbm>>) dst(%arg25 : memref<4096xf32, #tpu.memory_space<vmem>>)
      tpu.yield
    }) : () -> ()
    "tpu.region"() ({
      %run_scoped3A = tpu.sem_alloc : memref<!tpu.dma_semaphore, #tpu.memory_space<semaphore_mem>>
      %dma_start3A = tpu.memref_slice %arg5[%mul3A_25] : memref<16384xf32, #tpu.memory_space<hbm>> -> memref<4096xf32, #tpu.memory_space<hbm>>
      %dma_start3A_46 = tpu.memref_slice %arg5[%mul3A_25] : memref<16384xf32, #tpu.memory_space<hbm>> -> memref<4096xf32, #tpu.memory_space<hbm>>
      tpu.enqueue_dma source(%dma_start3A_46 : memref<4096xf32, #tpu.memory_space<hbm>>) target(%arg26 : memref<4096xf32, #tpu.memory_space<vmem>>) target_semaphore(%run_scoped3A : memref<!tpu.dma_semaphore, #tpu.memory_space<semaphore_mem>>)
      %dma_wait3A = tpu.memref_slice %arg5[%mul3A_25] : memref<16384xf32, #tpu.memory_space<hbm>> -> memref<4096xf32, #tpu.memory_space<hbm>>
      %dma_wait3A_47 = tpu.memref_slice %arg5[%mul3A_25] : memref<16384xf32, #tpu.memory_space<hbm>> -> memref<4096xf32, #tpu.memory_space<hbm>>
      tpu.wait_dma2 semaphore(%run_scoped3A : memref<!tpu.dma_semaphore, #tpu.memory_space<semaphore_mem>>) src(%dma_wait3A_47 : memref<4096xf32, #tpu.memory_space<hbm>>) dst(%arg26 : memref<4096xf32, #tpu.memory_space<vmem>>)
      tpu.yield
    }) : () -> ()
    "tpu.region"() ({
      %run_scoped3A = tpu.sem_alloc : memref<!tpu.dma_semaphore, #tpu.memory_space<semaphore_mem>>
      %dma_start3A = tpu.memref_slice %arg6[%mul3A_25] : memref<16384xf32, #tpu.memory_space<hbm>> -> memref<4096xf32, #tpu.memory_space<hbm>>
      %dma_start3A_46 = tpu.memref_slice %arg6[%mul3A_25] : memref<16384xf32, #tpu.memory_space<hbm>> -> memref<4096xf32, #tpu.memory_space<hbm>>
      tpu.enqueue_dma source(%dma_start3A_46 : memref<4096xf32, #tpu.memory_space<hbm>>) target(%arg27 : memref<4096xf32, #tpu.memory_space<vmem>>) target_semaphore(%run_scoped3A : memref<!tpu.dma_semaphore, #tpu.memory_space<semaphore_mem>>)
      %dma_wait3A = tpu.memref_slice %arg6[%mul3A_25] : memref<16384xf32, #tpu.memory_space<hbm>> -> memref<4096xf32, #tpu.memory_space<hbm>>
      %dma_wait3A_47 = tpu.memref_slice %arg6[%mul3A_25] : memref<16384xf32, #tpu.memory_space<hbm>> -> memref<4096xf32, #tpu.memory_space<hbm>>
      tpu.wait_dma2 semaphore(%run_scoped3A : memref<!tpu.dma_semaphore, #tpu.memory_space<semaphore_mem>>) src(%dma_wait3A_47 : memref<4096xf32, #tpu.memory_space<hbm>>) dst(%arg27 : memref<4096xf32, #tpu.memory_space<vmem>>)
      tpu.yield
    }) : () -> ()
    "tpu.region"() ({
      %run_scoped3A = tpu.sem_alloc : memref<!tpu.dma_semaphore, #tpu.memory_space<semaphore_mem>>
      %dma_start3A = tpu.memref_slice %arg7[%mul3A_25] : memref<16384xf32, #tpu.memory_space<hbm>> -> memref<4096xf32, #tpu.memory_space<hbm>>
      %dma_start3A_46 = tpu.memref_slice %arg7[%mul3A_25] : memref<16384xf32, #tpu.memory_space<hbm>> -> memref<4096xf32, #tpu.memory_space<hbm>>
      tpu.enqueue_dma source(%dma_start3A_46 : memref<4096xf32, #tpu.memory_space<hbm>>) target(%arg38 : memref<4096xf32, #tpu.memory_space<vmem>>) target_semaphore(%run_scoped3A : memref<!tpu.dma_semaphore, #tpu.memory_space<semaphore_mem>>)
      %dma_wait3A = tpu.memref_slice %arg7[%mul3A_25] : memref<16384xf32, #tpu.memory_space<hbm>> -> memref<4096xf32, #tpu.memory_space<hbm>>
      %dma_wait3A_47 = tpu.memref_slice %arg7[%mul3A_25] : memref<16384xf32, #tpu.memory_space<hbm>> -> memref<4096xf32, #tpu.memory_space<hbm>>
      tpu.wait_dma2 semaphore(%run_scoped3A : memref<!tpu.dma_semaphore, #tpu.memory_space<semaphore_mem>>) src(%dma_wait3A_47 : memref<4096xf32, #tpu.memory_space<hbm>>) dst(%arg38 : memref<4096xf32, #tpu.memory_space<vmem>>)
      tpu.yield
    }) : () -> ()
    "tpu.region"() ({
      %run_scoped3A = tpu.sem_alloc : memref<!tpu.dma_semaphore, #tpu.memory_space<semaphore_mem>>
      %dma_start3A = tpu.memref_slice %arg8[%mul3A_25] : memref<16384xi32, #tpu.memory_space<hbm>> -> memref<4096xi32, #tpu.memory_space<hbm>>
      %dma_start3A_46 = tpu.memref_slice %arg8[%mul3A_25] : memref<16384xi32, #tpu.memory_space<hbm>> -> memref<4096xi32, #tpu.memory_space<hbm>>
      tpu.enqueue_dma source(%dma_start3A_46 : memref<4096xi32, #tpu.memory_space<hbm>>) target(%arg39 : memref<4096xi32, #tpu.memory_space<vmem>>) target_semaphore(%run_scoped3A : memref<!tpu.dma_semaphore, #tpu.memory_space<semaphore_mem>>)
      %dma_wait3A = tpu.memref_slice %arg8[%mul3A_25] : memref<16384xi32, #tpu.memory_space<hbm>> -> memref<4096xi32, #tpu.memory_space<hbm>>
      %dma_wait3A_47 = tpu.memref_slice %arg8[%mul3A_25] : memref<16384xi32, #tpu.memory_space<hbm>> -> memref<4096xi32, #tpu.memory_space<hbm>>
      tpu.wait_dma2 semaphore(%run_scoped3A : memref<!tpu.dma_semaphore, #tpu.memory_space<semaphore_mem>>) src(%dma_wait3A_47 : memref<4096xi32, #tpu.memory_space<hbm>>) dst(%arg39 : memref<4096xi32, #tpu.memory_space<vmem>>)
      tpu.yield
    }) : () -> ()
    "tpu.region"() ({
      %run_scoped3A = tpu.sem_alloc : memref<!tpu.dma_semaphore, #tpu.memory_space<semaphore_mem>>
      %dma_start3A = tpu.memref_slice %arg9[%mul3A_18] : memref<4096xf32, #tpu.memory_space<hbm>> -> memref<128xf32, #tpu.memory_space<hbm>>
      %dma_start3A_46 = tpu.memref_slice %arg9[%mul3A_18] : memref<4096xf32, #tpu.memory_space<hbm>> -> memref<128xf32, #tpu.memory_space<hbm>>
      tpu.enqueue_dma source(%dma_start3A_46 : memref<128xf32, #tpu.memory_space<hbm>>) target(%arg28 : memref<128xf32, #tpu.memory_space<vmem>>) target_semaphore(%run_scoped3A : memref<!tpu.dma_semaphore, #tpu.memory_space<semaphore_mem>>)
      %dma_wait3A = tpu.memref_slice %arg9[%mul3A_18] : memref<4096xf32, #tpu.memory_space<hbm>> -> memref<128xf32, #tpu.memory_space<hbm>>
      %dma_wait3A_47 = tpu.memref_slice %arg9[%mul3A_18] : memref<4096xf32, #tpu.memory_space<hbm>> -> memref<128xf32, #tpu.memory_space<hbm>>
      tpu.wait_dma2 semaphore(%run_scoped3A : memref<!tpu.dma_semaphore, #tpu.memory_space<semaphore_mem>>) src(%dma_wait3A_47 : memref<128xf32, #tpu.memory_space<hbm>>) dst(%arg28 : memref<128xf32, #tpu.memory_space<vmem>>)
      tpu.yield
    }) : () -> ()
    "tpu.region"() ({
      %run_scoped3A = tpu.sem_alloc : memref<!tpu.dma_semaphore, #tpu.memory_space<semaphore_mem>>
      %dma_start3A = tpu.memref_slice %arg10[%mul3A_18] : memref<4096xf32, #tpu.memory_space<hbm>> -> memref<128xf32, #tpu.memory_space<hbm>>
      %dma_start3A_46 = tpu.memref_slice %arg10[%mul3A_18] : memref<4096xf32, #tpu.memory_space<hbm>> -> memref<128xf32, #tpu.memory_space<hbm>>
      tpu.enqueue_dma source(%dma_start3A_46 : memref<128xf32, #tpu.memory_space<hbm>>) target(%arg29 : memref<128xf32, #tpu.memory_space<vmem>>) target_semaphore(%run_scoped3A : memref<!tpu.dma_semaphore, #tpu.memory_space<semaphore_mem>>)
      %dma_wait3A = tpu.memref_slice %arg10[%mul3A_18] : memref<4096xf32, #tpu.memory_space<hbm>> -> memref<128xf32, #tpu.memory_space<hbm>>
      %dma_wait3A_47 = tpu.memref_slice %arg10[%mul3A_18] : memref<4096xf32, #tpu.memory_space<hbm>> -> memref<128xf32, #tpu.memory_space<hbm>>
      tpu.wait_dma2 semaphore(%run_scoped3A : memref<!tpu.dma_semaphore, #tpu.memory_space<semaphore_mem>>) src(%dma_wait3A_47 : memref<128xf32, #tpu.memory_space<hbm>>) dst(%arg29 : memref<128xf32, #tpu.memory_space<vmem>>)
      tpu.yield
    }) : () -> ()
    "tpu.region"() ({
      %run_scoped3A = tpu.sem_alloc : memref<!tpu.dma_semaphore, #tpu.memory_space<semaphore_mem>>
      %dma_start3A = tpu.memref_slice %arg11[%mul3A_18] : memref<4096xf32, #tpu.memory_space<hbm>> -> memref<128xf32, #tpu.memory_space<hbm>>
      %dma_start3A_46 = tpu.memref_slice %arg11[%mul3A_18] : memref<4096xf32, #tpu.memory_space<hbm>> -> memref<128xf32, #tpu.memory_space<hbm>>
      tpu.enqueue_dma source(%dma_start3A_46 : memref<128xf32, #tpu.memory_space<hbm>>) target(%arg30 : memref<128xf32, #tpu.memory_space<vmem>>) target_semaphore(%run_scoped3A : memref<!tpu.dma_semaphore, #tpu.memory_space<semaphore_mem>>)
      %dma_wait3A = tpu.memref_slice %arg11[%mul3A_18] : memref<4096xf32, #tpu.memory_space<hbm>> -> memref<128xf32, #tpu.memory_space<hbm>>
      %dma_wait3A_47 = tpu.memref_slice %arg11[%mul3A_18] : memref<4096xf32, #tpu.memory_space<hbm>> -> memref<128xf32, #tpu.memory_space<hbm>>
      tpu.wait_dma2 semaphore(%run_scoped3A : memref<!tpu.dma_semaphore, #tpu.memory_space<semaphore_mem>>) src(%dma_wait3A_47 : memref<128xf32, #tpu.memory_space<hbm>>) dst(%arg30 : memref<128xf32, #tpu.memory_space<vmem>>)
      tpu.yield
    }) : () -> ()
    "tpu.region"() ({
      %run_scoped3A = tpu.sem_alloc : memref<!tpu.dma_semaphore, #tpu.memory_space<semaphore_mem>>
      %dma_start3A = tpu.memref_slice %arg12[%mul3A_18] : memref<4096xi32, #tpu.memory_space<hbm>> -> memref<128xi32, #tpu.memory_space<hbm>>
      %dma_start3A_46 = tpu.memref_slice %arg12[%mul3A_18] : memref<4096xi32, #tpu.memory_space<hbm>> -> memref<128xi32, #tpu.memory_space<hbm>>
      tpu.enqueue_dma source(%dma_start3A_46 : memref<128xi32, #tpu.memory_space<hbm>>) target(%arg31 : memref<128xi32, #tpu.memory_space<vmem>>) target_semaphore(%run_scoped3A : memref<!tpu.dma_semaphore, #tpu.memory_space<semaphore_mem>>)
      %dma_wait3A = tpu.memref_slice %arg12[%mul3A_18] : memref<4096xi32, #tpu.memory_space<hbm>> -> memref<128xi32, #tpu.memory_space<hbm>>
      %dma_wait3A_47 = tpu.memref_slice %arg12[%mul3A_18] : memref<4096xi32, #tpu.memory_space<hbm>> -> memref<128xi32, #tpu.memory_space<hbm>>
      tpu.wait_dma2 semaphore(%run_scoped3A : memref<!tpu.dma_semaphore, #tpu.memory_space<semaphore_mem>>) src(%dma_wait3A_47 : memref<128xi32, #tpu.memory_space<hbm>>) dst(%arg31 : memref<128xi32, #tpu.memory_space<vmem>>)
      tpu.yield
    }) : () -> ()
    %scan3A = arith.constant 0 : i32
    %scan3A_26 = arith.constant 0 : i32
    %scan3A_27 = arith.constant 8 : i32
    %scan3A_28 = arith.addi %scan3A_26, %scan3A_27 : i32
    %scan3A_29 = arith.constant 1 : i32
    %scan3A_30 = scf.for %scan3A_46 = %scan3A_26 to %scan3A_28 step %scan3A_29 iter_args(%scan3A_47 = %scan3A) -> (i32)  : i32 {
      %mul3A_48 = arith.constant 16 : i32
      %mul3A_49 = arith.muli %scan3A_46, %mul3A_48 : i32
      %get3A = arith.index_cast %mul3A_49 : i32 to index
      %get3A_50 = tpu.vector_load %arg31[%get3A] {strides = array<i32>} : memref<128xi32, #tpu.memory_space<vmem>>, vector<16xi32>,
      %gather3A = tpu.vector_load_idx %arg38[%get3A_50] : memref<4096xf32, #tpu.memory_space<vmem>>[vector<16xi32>], vector<16xf32>,
      %mul3A_51 = arith.constant 16 : i32
      %mul3A_52 = arith.muli %scan3A_46, %mul3A_51 : i32
      %swap3A = arith.index_cast %mul3A_52 : i32 to index
      %swap3A_53 = tpu.vector_load %arg36[%swap3A] {strides = array<i32>} : memref<128xf32, #tpu.memory_space<vmem>>, vector<16xf32>,
      tpu.vector_store %arg36[%swap3A], %gather3A {strides = array<i32>} : memref<128xf32, #tpu.memory_space<vmem>>, vector<16xf32>,
      %gather3A_54 = tpu.vector_load_idx %arg39[%get3A_50] : memref<4096xi32, #tpu.memory_space<vmem>>[vector<16xi32>], vector<16xi32>,
      %mul3A_55 = arith.constant 16 : i32
      %mul3A_56 = arith.muli %scan3A_46, %mul3A_55 : i32
      %swap3A_57 = arith.index_cast %mul3A_56 : i32 to index
      %swap3A_58 = tpu.vector_load %arg37[%swap3A_57] {strides = array<i32>} : memref<128xi32, #tpu.memory_space<vmem>>, vector<16xi32>,
      tpu.vector_store %arg37[%swap3A_57], %gather3A_54 {strides = array<i32>} : memref<128xi32, #tpu.memory_space<vmem>>, vector<16xi32>,
      %scan3A_59 = arith.constant 0 : i32
      scf.yield %scan3A_59 : i32
    }
    %scan3A_31 = arith.constant 8 : i32
    "tpu.region"() ({
      %run_scoped3A = tpu.sem_alloc : memref<!tpu.dma_semaphore, #tpu.memory_space<semaphore_mem>>
      %dma_start3A = tpu.memref_slice %arg16[%mul3A_18] : memref<4096xf32, #tpu.memory_space<hbm>> -> memref<128xf32, #tpu.memory_space<hbm>>
      %dma_start3A_46 = tpu.memref_slice %arg16[%mul3A_18] : memref<4096xf32, #tpu.memory_space<hbm>> -> memref<128xf32, #tpu.memory_space<hbm>>
      tpu.enqueue_dma source(%arg36 : memref<128xf32, #tpu.memory_space<vmem>>) target(%dma_start3A_46 : memref<128xf32, #tpu.memory_space<hbm>>) target_semaphore(%run_scoped3A : memref<!tpu.dma_semaphore, #tpu.memory_space<semaphore_mem>>)
      %dma_wait3A = tpu.memref_slice %arg16[%mul3A_18] : memref<4096xf32, #tpu.memory_space<hbm>> -> memref<128xf32, #tpu.memory_space<hbm>>
      %dma_wait3A_47 = tpu.memref_slice %arg16[%mul3A_18] : memref<4096xf32, #tpu.memory_space<hbm>> -> memref<128xf32, #tpu.memory_space<hbm>>
      tpu.wait_dma2 semaphore(%run_scoped3A : memref<!tpu.dma_semaphore, #tpu.memory_space<semaphore_mem>>) src(%arg36 : memref<128xf32, #tpu.memory_space<vmem>>) dst(%dma_wait3A_47 : memref<128xf32, #tpu.memory_space<hbm>>)
      tpu.yield
    }) : () -> ()
    "tpu.region"() ({
      %run_scoped3A = tpu.sem_alloc : memref<!tpu.dma_semaphore, #tpu.memory_space<semaphore_mem>>
      %dma_start3A = tpu.memref_slice %arg17[%mul3A_18] : memref<4096xi32, #tpu.memory_space<hbm>> -> memref<128xi32, #tpu.memory_space<hbm>>
      %dma_start3A_46 = tpu.memref_slice %arg17[%mul3A_18] : memref<4096xi32, #tpu.memory_space<hbm>> -> memref<128xi32, #tpu.memory_space<hbm>>
      tpu.enqueue_dma source(%arg37 : memref<128xi32, #tpu.memory_space<vmem>>) target(%dma_start3A_46 : memref<128xi32, #tpu.memory_space<hbm>>) target_semaphore(%run_scoped3A : memref<!tpu.dma_semaphore, #tpu.memory_space<semaphore_mem>>)
      %dma_wait3A = tpu.memref_slice %arg17[%mul3A_18] : memref<4096xi32, #tpu.memory_space<hbm>> -> memref<128xi32, #tpu.memory_space<hbm>>
      %dma_wait3A_47 = tpu.memref_slice %arg17[%mul3A_18] : memref<4096xi32, #tpu.memory_space<hbm>> -> memref<128xi32, #tpu.memory_space<hbm>>
      tpu.wait_dma2 semaphore(%run_scoped3A : memref<!tpu.dma_semaphore, #tpu.memory_space<semaphore_mem>>) src(%arg37 : memref<128xi32, #tpu.memory_space<vmem>>) dst(%dma_wait3A_47 : memref<128xi32, #tpu.memory_space<hbm>>)
      tpu.yield
    }) : () -> ()
    %scan3A_32 = arith.constant 0 : i32
    %scan3A_33 = arith.constant 0 : i32
    %scan3A_34 = arith.constant 32 : i32
    %scan3A_35 = arith.addi %scan3A_33, %scan3A_34 : i32
    %scan3A_36 = arith.constant 1 : i32
    %scan3A_37 = scf.for %scan3A_46 = %scan3A_33 to %scan3A_35 step %scan3A_36 iter_args(%scan3A_47 = %scan3A_32) -> (i32)  : i32 {
      %mul3A_48 = arith.constant 16 : i32
      %mul3A_49 = arith.muli %scan3A_46, %mul3A_48 : i32
      %swap3A = arith.index_cast %mul3A_49 : i32 to index
      %swap3A_50 = tpu.vector_load %arg34[%swap3A] {strides = array<i32>} : memref<512xf32, #tpu.memory_space<vmem>>, vector<16xf32>,
      tpu.vector_store %arg34[%swap3A], %broadcast_in_dim3A_21 {strides = array<i32>} : memref<512xf32, #tpu.memory_space<vmem>>, vector<16xf32>,
      %scan3A_51 = arith.constant 0 : i32
      scf.yield %scan3A_51 : i32
    }
    %scan3A_38 = arith.constant 32 : i32
    %scan3A_39 = arith.constant 0 : i32
    %scan3A_40 = arith.constant 0 : i32
    %scan3A_41 = arith.constant 8 : i32
    %scan3A_42 = arith.addi %scan3A_40, %scan3A_41 : i32
    %scan3A_43 = arith.constant 1 : i32
    %scan3A_44 = scf.for %scan3A_46 = %scan3A_40 to %scan3A_42 step %scan3A_43 iter_args(%scan3A_47 = %scan3A_39) -> (i32)  : i32 {
      %scan3A_48 = arith.constant 0 : i32
      %scan3A_49 = arith.constant 16 : i32
      %scan3A_50 = arith.addi %scan3A_48, %scan3A_49 : i32
      %scan3A_51 = arith.constant 1 : i32
      %scan3A_52 = scf.for %scan3A_58 = %scan3A_48 to %scan3A_50 step %scan3A_51 iter_args(%scan3A_59 = %broadcast_in_dim3A_23) -> (vector<16xi32>)  : i32 {
        %mul3A_60 = arith.constant 16 : i32
        %mul3A_61 = arith.muli %scan3A_46, %mul3A_60 : i32
        %add3A_62 = arith.addi %mul3A_61, %scan3A_58 : i32
        %add3A_63 = arith.addi %mul3A_18, %add3A_62 : i32
        %mul3A_64 = arith.constant 4096 : i32
        %mul3A_65 = arith.muli %add3A_63, %mul3A_64 : i32
        "tpu.region"() ({
          %run_scoped3A = tpu.sem_alloc : memref<!tpu.dma_semaphore, #tpu.memory_space<semaphore_mem>>
          %dma_start3A_195 = tpu.memref_slice %arg2[%mul3A_65] : memref<16777216xf32, #tpu.memory_space<hbm>> -> memref<4096xf32, #tpu.memory_space<hbm>>
          %dma_start3A_196 = tpu.memref_slice %arg2[%mul3A_65] : memref<16777216xf32, #tpu.memory_space<hbm>> -> memref<4096xf32, #tpu.memory_space<hbm>>
          tpu.enqueue_dma source(%dma_start3A_196 : memref<4096xf32, #tpu.memory_space<hbm>>) target(%arg18 : memref<4096xf32, #tpu.memory_space<vmem>>) target_semaphore(%run_scoped3A : memref<!tpu.dma_semaphore, #tpu.memory_space<semaphore_mem>>)
          %dma_wait3A_197 = tpu.memref_slice %arg2[%mul3A_65] : memref<16777216xf32, #tpu.memory_space<hbm>> -> memref<4096xf32, #tpu.memory_space<hbm>>
          %dma_wait3A_198 = tpu.memref_slice %arg2[%mul3A_65] : memref<16777216xf32, #tpu.memory_space<hbm>> -> memref<4096xf32, #tpu.memory_space<hbm>>
          tpu.wait_dma2 semaphore(%run_scoped3A : memref<!tpu.dma_semaphore, #tpu.memory_space<semaphore_mem>>) src(%dma_wait3A_198 : memref<4096xf32, #tpu.memory_space<hbm>>) dst(%arg18 : memref<4096xf32, #tpu.memory_space<vmem>>)
          tpu.yield
        }) : () -> ()
        %scan3A_66 = arith.constant 0 : i32
        %scan3A_67 = arith.constant 0 : i32
        %scan3A_68 = arith.constant 16 : i32
        %scan3A_69 = arith.addi %scan3A_67, %scan3A_68 : i32
        %scan3A_70 = arith.constant 1 : i32
        %scan3A_71 = scf.for %scan3A_195 = %scan3A_67 to %scan3A_69 step %scan3A_70 iter_args(%scan3A_196 = %scan3A_66) -> (i32)  : i32 {
          %mul3A_197 = arith.constant 16 : i32
          %mul3A_198 = arith.muli %scan3A_195, %mul3A_197 : i32
          %swap3A_199 = arith.index_cast %mul3A_198 : i32 to index
          %swap3A_200 = tpu.vector_load %arg19[%swap3A_199] {strides = array<i32>} : memref<256xi32, #tpu.memory_space<vmem>>, vector<16xi32>,
          tpu.vector_store %arg19[%swap3A_199], %broadcast_in_dim3A_23 {strides = array<i32>} : memref<256xi32, #tpu.memory_space<vmem>>, vector<16xi32>,
          %scan3A_201 = arith.constant 0 : i32
          scf.yield %scan3A_201 : i32
        }
        %scan3A_72 = arith.constant 16 : i32
        %scan3A_73 = arith.constant 0 : i32
        %scan3A_74 = arith.constant 0 : i32
        %scan3A_75 = arith.constant 256 : i32
        %scan3A_76 = arith.addi %scan3A_74, %scan3A_75 : i32
        %scan3A_77 = arith.constant 1 : i32
        %scan3A_78 = scf.for %scan3A_195 = %scan3A_74 to %scan3A_76 step %scan3A_77 iter_args(%scan3A_196 = %scan3A_73) -> (i32)  : i32 {
          %mul3A_197 = arith.constant 16 : i32
          %mul3A_198 = arith.muli %scan3A_195, %mul3A_197 : i32
          %get3A_199 = arith.index_cast %mul3A_198 : i32 to index
          %get3A_200 = tpu.vector_load %arg18[%get3A_199] {strides = array<i32>} : memref<4096xf32, #tpu.memory_space<vmem>>, vector<16xf32>,
          %le3A_201 = arith.constant 4.000000e-02 : f32
          %le3A_202 = vector.broadcast %le3A_201 : f32 to vector<16xf32>
          %le3A_203 = arith.cmpf ole, %get3A_200, %le3A_202 : vector<16xf32>
          %swap3A_204 = arith.index_cast %scan3A_196 : i32 to index
          %swap3A_205 = tpu.vector_load %arg21[%swap3A_204] masked %le3A_203 {strides = array<i32>} : memref<4112xf32, #tpu.memory_space<vmem>>, vector<16xf32>, vector<16xi1>
          tpu.vector_store %arg21[%swap3A_204], %get3A_200 masked %le3A_203 {strides = array<i32>} : memref<4112xf32, #tpu.memory_space<vmem>>, vector<16xf32>, vector<16xi1>
          %mul3A_206 = arith.constant 16 : i32
          %mul3A_207 = arith.muli %scan3A_195, %mul3A_206 : i32
          %add3A_208 = vector.broadcast %mul3A_207 : i32 to vector<16xi32>
          %add3A_209 = arith.addi %add3A_208, %iota3A : vector<16xi32>
          %swap3A_210 = arith.index_cast %scan3A_196 : i32 to index
          %swap3A_211 = tpu.vector_load %arg22[%swap3A_210] masked %le3A_203 {strides = array<i32>} : memref<4112xi32, #tpu.memory_space<vmem>>, vector<16xi32>, vector<16xi1>
          tpu.vector_store %arg22[%swap3A_210], %add3A_209 masked %le3A_203 {strides = array<i32>} : memref<4112xi32, #tpu.memory_space<vmem>>, vector<16xi32>, vector<16xi1>
          %all_reduce_population_count3A_212 = tpu.all_reduce %le3A_203 {dim = 0 : i64, kind = #tpu.reduction_kind<sum>} : vector<16xi1> -> vector<16xi32>
          %reduce_max3A_213 = arith.constant true
          %reduce_max3A_214 = vector.broadcast %reduce_max3A_213 : i1 to vector<16xi1>
          %reduce_max3A_215 = arith.constant -2147483648 : i32
          %reduce_max3A_216 = vector.broadcast %reduce_max3A_215 : i32 to vector<16xi32>
          %reduce_max3A_217 = arith.xori %all_reduce_population_count3A_212, %reduce_max3A_216 : vector<16xi32>
          %reduce_max3A_218 = tpu.scan <max>, %reduce_max3A_217 masked %reduce_max3A_214 : vector<16xi32>, vector<16xi1> -> vector<16xi32>
          %reduce_max3A_219 = arith.xori %reduce_max3A_218, %reduce_max3A_216 : vector<16xi32>
          %reduce_max3A_220 = vector.extract %reduce_max3A_219[15] : i32 from vector<16xi32>
          %add3A_221 = arith.addi %scan3A_196, %reduce_max3A_220 : i32
          scf.yield %add3A_221 : i32
        }
        %scan3A_79 = arith.constant 256 : i32
        %scan3A_80 = arith.constant 0 : i32
        %scan3A_81 = arith.constant 0 : i32
        %scan3A_82 = arith.constant 32 : i32
        %scan3A_83 = arith.addi %scan3A_81, %scan3A_82 : i32
        %scan3A_84 = arith.constant 1 : i32
        %scan3A_85 = scf.for %scan3A_195 = %scan3A_81 to %scan3A_83 step %scan3A_84 iter_args(%scan3A_196 = %scan3A_80) -> (i32)  : i32 {
          %mul3A_197 = arith.constant 16 : i32
          %mul3A_198 = arith.muli %scan3A_195, %mul3A_197 : i32
          %get3A_199 = arith.index_cast %mul3A_198 : i32 to index
          %get3A_200 = tpu.vector_load %arg21[%get3A_199] {strides = array<i32>} : memref<4112xf32, #tpu.memory_space<vmem>>, vector<16xf32>,
          %mul3A_201 = arith.constant 16 : i32
          %mul3A_202 = arith.muli %scan3A_195, %mul3A_201 : i32
          %add3A_203 = vector.broadcast %mul3A_202 : i32 to vector<16xi32>
          %add3A_204 = arith.addi %add3A_203, %iota3A : vector<16xi32>
          %lt3A_205 = vector.broadcast %scan3A_78 : i32 to vector<16xi32>
          %lt3A_206 = arith.cmpi slt, %add3A_204, %lt3A_205 : vector<16xi32>
          %mul3A_207 = arith.constant 6.400000e+03 : f32
          %mul3A_208 = vector.broadcast %mul3A_207 : f32 to vector<16xf32>
          %mul3A_209 = arith.mulf %get3A_200, %mul3A_208 : vector<16xf32>
          %convert_element_type3A = arith.fptosi %mul3A_209 : vector<16xf32> to vector<16xi32>
          %min3A = arith.constant 255 : i32
          %min3A_210 = vector.broadcast %min3A : i32 to vector<16xi32>
          %min3A_211 = arith.minsi %convert_element_type3A, %min3A_210 : vector<16xi32>
          %jit3A_212 = arith.constant 0 : i32
          %broadcast_in_dim3A_213 = vector.broadcast %jit3A_212 : i32 to vector<16xi32>
          %select_n3A_214 = arith.select %lt3A_206, %min3A_211, %broadcast_in_dim3A_213 : vector<16xi1>, vector<16xi32>
          tpu.vector_store_idx %arg19[%select_n3A_214], %broadcast_in_dim3A_19 masked %lt3A_206 {add = true} : memref<256xi32, #tpu.memory_space<vmem>>[vector<16xi32>], vector<16xi32>, vector<16xi1>
          %scan3A_215 = arith.constant 0 : i32
          scf.yield %scan3A_215 : i32
        }
        %scan3A_86 = arith.constant 32 : i32
        %scan3A_87 = arith.constant 0 : i32
        %scan3A_88 = arith.constant 0 : i32
        %scan3A_89 = arith.constant 0 : i32
        %scan3A_90 = arith.constant 0 : i32
        %scan3A_91 = arith.constant 0 : i32
        %scan3A_92 = arith.constant 16 : i32
        %scan3A_93 = arith.addi %scan3A_91, %scan3A_92 : i32
        %scan3A_94 = arith.constant 1 : i32
        %scan3A_95:4 = scf.for %scan3A_195 = %scan3A_91 to %scan3A_93 step %scan3A_94 iter_args(%scan3A_196 = %scan3A_87, %scan3A_197 = %scan3A_88, %scan3A_198 = %scan3A_89, %scan3A_199 = %scan3A_90) -> (i32, i32, i32, i32)  : i32 {
          %mul3A_200 = arith.constant 16 : i32
          %mul3A_201 = arith.muli %scan3A_195, %mul3A_200 : i32
          %get3A_202 = arith.index_cast %mul3A_201 : i32 to index
          %get3A_203 = tpu.vector_load %arg19[%get3A_202] {strides = array<i32>} : memref<256xi32, #tpu.memory_space<vmem>>, vector<16xi32>,
          %broadcast_in_dim3A_204 = arith.constant true
          %broadcast_in_dim3A_205 = vector.broadcast %broadcast_in_dim3A_204 : i1 to vector<16xi1>
          %masked_cumsum3A_206 = tpu.scan <sum>, %get3A_203 masked %broadcast_in_dim3A_205 : vector<16xi32>, vector<16xi1> -> vector<16xi32>
          %add3A_207 = vector.broadcast %scan3A_199 : i32 to vector<16xi32>
          %add3A_208 = arith.addi %masked_cumsum3A_206, %add3A_207 : vector<16xi32>
          %ge3A = arith.constant 64 : i32
          %ge3A_209 = vector.broadcast %ge3A : i32 to vector<16xi32>
          %ge3A_210 = arith.cmpi sge, %add3A_208, %ge3A_209 : vector<16xi32>
          %convert_element_type3A = arith.extui %ge3A_210 : vector<16xi1> to vector<16xi32>
          %reduce_max3A_211 = arith.constant true
          %reduce_max3A_212 = vector.broadcast %reduce_max3A_211 : i1 to vector<16xi1>
          %reduce_max3A_213 = arith.constant -2147483648 : i32
          %reduce_max3A_214 = vector.broadcast %reduce_max3A_213 : i32 to vector<16xi32>
          %reduce_max3A_215 = arith.xori %convert_element_type3A, %reduce_max3A_214 : vector<16xi32>
          %reduce_max3A_216 = tpu.scan <max>, %reduce_max3A_215 masked %reduce_max3A_212 : vector<16xi32>, vector<16xi1> -> vector<16xi32>
          %reduce_max3A_217 = arith.xori %reduce_max3A_216, %reduce_max3A_214 : vector<16xi32>
          %reduce_max3A_218 = vector.extract %reduce_max3A_217[15] : i32 from vector<16xi32>
          %all_reduce_ffs3A = tpu.all_reduce %ge3A_210 {dim = 0 : i64, kind = #tpu.reduction_kind<find_first_set>} : vector<16xi1> -> vector<16xi32>
          %reduce_max3A_219 = arith.constant true
          %reduce_max3A_220 = vector.broadcast %reduce_max3A_219 : i1 to vector<16xi1>
          %reduce_max3A_221 = arith.constant -2147483648 : i32
          %reduce_max3A_222 = vector.broadcast %reduce_max3A_221 : i32 to vector<16xi32>
          %reduce_max3A_223 = arith.xori %all_reduce_ffs3A, %reduce_max3A_222 : vector<16xi32>
          %reduce_max3A_224 = tpu.scan <max>, %reduce_max3A_223 masked %reduce_max3A_220 : vector<16xi32>, vector<16xi1> -> vector<16xi32>
          %reduce_max3A_225 = arith.xori %reduce_max3A_224, %reduce_max3A_222 : vector<16xi32>
          %reduce_max3A_226 = vector.extract %reduce_max3A_225[15] : i32 from vector<16xi32>
          %eq3A_227 = vector.broadcast %reduce_max3A_226 : i32 to vector<16xi32>
          %eq3A_228 = arith.cmpi eq, %iota3A, %eq3A_227 : vector<16xi32>
          %sub3A_229 = arith.subi %add3A_208, %get3A_203 : vector<16xi32>
          %jit3A_230 = arith.constant 0 : i32
          %broadcast_in_dim3A_231 = vector.broadcast %jit3A_230 : i32 to vector<16xi32>
          %select_n3A_232 = arith.select %eq3A_228, %sub3A_229, %broadcast_in_dim3A_231 : vector<16xi1>, vector<16xi32>
          %reduce_sum3A_233 = arith.constant true
          %reduce_sum3A_234 = vector.broadcast %reduce_sum3A_233 : i1 to vector<16xi1>
          %reduce_sum3A_235 = tpu.scan <sum>, %select_n3A_232 masked %reduce_sum3A_234 : vector<16xi32>, vector<16xi1> -> vector<16xi32>
          %reduce_sum3A_236 = vector.extract %reduce_sum3A_235[15] : i32 from vector<16xi32>
          %eq3A_237 = arith.constant 0 : i32
          %eq3A_238 = arith.cmpi eq, %scan3A_196, %eq3A_237 : i32
          %eq3A_239 = arith.constant 1 : i32
          %eq3A_240 = arith.cmpi eq, %reduce_max3A_218, %eq3A_239 : i32
          %and3A_241 = arith.andi %eq3A_238, %eq3A_240 : i1
          %mul3A_242 = arith.constant 16 : i32
          %mul3A_243 = arith.muli %scan3A_195, %mul3A_242 : i32
          %add3A_244 = arith.addi %mul3A_243, %reduce_max3A_226 : i32
          %select_n3A_245 = arith.select %and3A_241, %add3A_244, %scan3A_197 : i32
          %select_n3A_246 = arith.select %and3A_241, %reduce_sum3A_236, %scan3A_198 : i32
          %jit3A_247 = arith.constant 1 : i32
          %select_n3A_248 = arith.select %and3A_241, %jit3A_247, %scan3A_196 : i32
          %reduce_sum3A_249 = arith.constant true
          %reduce_sum3A_250 = vector.broadcast %reduce_sum3A_249 : i1 to vector<16xi1>
          %reduce_sum3A_251 = tpu.scan <sum>, %get3A_203 masked %reduce_sum3A_250 : vector<16xi32>, vector<16xi1> -> vector<16xi32>
          %reduce_sum3A_252 = vector.extract %reduce_sum3A_251[15] : i32 from vector<16xi32>
          %add3A_253 = arith.addi %scan3A_199, %reduce_sum3A_252 : i32
          scf.yield %select_n3A_248, %select_n3A_245, %select_n3A_246, %add3A_253 : i32, i32, i32, i32
        }
        %scan3A_96 = arith.constant 16 : i32
        %gt3A = arith.constant 64 : i32
        %gt3A_97 = arith.cmpi sgt, %scan3A_78, %gt3A : i32
        %jit3A_98 = arith.constant 0 : i32
        %select_n3A_99 = arith.select %gt3A_97, %scan3A_95#0, %jit3A_98 : i32
        %eq3A = arith.constant 1 : i32
        %eq3A_100 = arith.cmpi eq, %select_n3A_99, %eq3A : i32
        %jit3A_101 = arith.constant 256 : i32
        %select_n3A_102 = arith.select %eq3A_100, %scan3A_95#1, %jit3A_101 : i32
        %eq3A_103 = arith.constant 1 : i32
        %eq3A_104 = arith.cmpi eq, %select_n3A_99, %eq3A_103 : i32
        %sub3A_105 = arith.constant 64 : i32
        %sub3A_106 = arith.subi %sub3A_105, %scan3A_95#2 : i32
        %jit3A_107 = arith.constant 0 : i32
        %select_n3A_108 = arith.select %eq3A_104, %sub3A_106, %jit3A_107 : i32
        %broadcast_in_dim3A_109 = arith.constant 0x7F800000 : f32
        %broadcast_in_dim3A_110 = vector.broadcast %broadcast_in_dim3A_109 : f32 to vector<16xf32>
        %swap3A_111 = arith.constant 0 : index
        %swap3A_112 = tpu.vector_load %arg23[%swap3A_111] {strides = array<i32>} : memref<4096xf32, #tpu.memory_space<vmem>>, vector<16xf32>,
        tpu.vector_store %arg23[%swap3A_111], %broadcast_in_dim3A_110 {strides = array<i32>} : memref<4096xf32, #tpu.memory_space<vmem>>, vector<16xf32>,
        %swap3A_113 = arith.constant 0 : index
        %swap3A_114 = tpu.vector_load %arg24[%swap3A_113] {strides = array<i32>} : memref<4096xi32, #tpu.memory_space<vmem>>, vector<16xi32>,
        tpu.vector_store %arg24[%swap3A_113], %broadcast_in_dim3A_23 {strides = array<i32>} : memref<4096xi32, #tpu.memory_space<vmem>>, vector<16xi32>,
        %swap3A_115 = arith.constant 0 : index
        %swap3A_116 = tpu.vector_load %arg20[%swap3A_115] {strides = array<i32>} : memref<80xi32, #tpu.memory_space<vmem>>, vector<16xi32>,
        tpu.vector_store %arg20[%swap3A_115], %broadcast_in_dim3A_23 {strides = array<i32>} : memref<80xi32, #tpu.memory_space<vmem>>, vector<16xi32>,
        %swap3A_117 = arith.constant 16 : index
        %swap3A_118 = tpu.vector_load %arg20[%swap3A_117] {strides = array<i32>} : memref<80xi32, #tpu.memory_space<vmem>>, vector<16xi32>,
        tpu.vector_store %arg20[%swap3A_117], %broadcast_in_dim3A_23 {strides = array<i32>} : memref<80xi32, #tpu.memory_space<vmem>>, vector<16xi32>,
        %swap3A_119 = arith.constant 32 : index
        %swap3A_120 = tpu.vector_load %arg20[%swap3A_119] {strides = array<i32>} : memref<80xi32, #tpu.memory_space<vmem>>, vector<16xi32>,
        tpu.vector_store %arg20[%swap3A_119], %broadcast_in_dim3A_23 {strides = array<i32>} : memref<80xi32, #tpu.memory_space<vmem>>, vector<16xi32>,
        %swap3A_121 = arith.constant 48 : index
        %swap3A_122 = tpu.vector_load %arg20[%swap3A_121] {strides = array<i32>} : memref<80xi32, #tpu.memory_space<vmem>>, vector<16xi32>,
        tpu.vector_store %arg20[%swap3A_121], %broadcast_in_dim3A_23 {strides = array<i32>} : memref<80xi32, #tpu.memory_space<vmem>>, vector<16xi32>,
        %swap3A_123 = arith.constant 64 : index
        %swap3A_124 = tpu.vector_load %arg20[%swap3A_123] {strides = array<i32>} : memref<80xi32, #tpu.memory_space<vmem>>, vector<16xi32>,
        tpu.vector_store %arg20[%swap3A_123], %broadcast_in_dim3A_23 {strides = array<i32>} : memref<80xi32, #tpu.memory_space<vmem>>, vector<16xi32>,
        %scan3A_125 = arith.constant 0 : i32
        %scan3A_126 = arith.constant 0 : i32
        %scan3A_127 = arith.constant 0 : i32
        %scan3A_128 = arith.constant 32 : i32
        %scan3A_129 = arith.addi %scan3A_127, %scan3A_128 : i32
        %scan3A_130 = arith.constant 1 : i32
        %scan3A_131:2 = scf.for %scan3A_195 = %scan3A_127 to %scan3A_129 step %scan3A_130 iter_args(%scan3A_196 = %scan3A_125, %scan3A_197 = %scan3A_126) -> (i32, i32)  : i32 {
          %mul3A_198 = arith.constant 16 : i32
          %mul3A_199 = arith.muli %scan3A_195, %mul3A_198 : i32
          %get3A_200 = arith.index_cast %mul3A_199 : i32 to index
          %get3A_201 = tpu.vector_load %arg21[%get3A_200] {strides = array<i32>} : memref<4112xf32, #tpu.memory_space<vmem>>, vector<16xf32>,
          %mul3A_202 = arith.constant 16 : i32
          %mul3A_203 = arith.muli %scan3A_195, %mul3A_202 : i32
          %get3A_204 = arith.index_cast %mul3A_203 : i32 to index
          %get3A_205 = tpu.vector_load %arg22[%get3A_204] {strides = array<i32>} : memref<4112xi32, #tpu.memory_space<vmem>>, vector<16xi32>,
          %mul3A_206 = arith.constant 16 : i32
          %mul3A_207 = arith.muli %scan3A_195, %mul3A_206 : i32
          %add3A_208 = vector.broadcast %mul3A_207 : i32 to vector<16xi32>
          %add3A_209 = arith.addi %add3A_208, %iota3A : vector<16xi32>
          %lt3A_210 = vector.broadcast %scan3A_78 : i32 to vector<16xi32>
          %lt3A_211 = arith.cmpi slt, %add3A_209, %lt3A_210 : vector<16xi32>
          %mul3A_212 = arith.constant 6.400000e+03 : f32
          %mul3A_213 = vector.broadcast %mul3A_212 : f32 to vector<16xf32>
          %mul3A_214 = arith.mulf %get3A_201, %mul3A_213 : vector<16xf32>
          %convert_element_type3A = arith.fptosi %mul3A_214 : vector<16xf32> to vector<16xi32>
          %min3A = arith.constant 255 : i32
          %min3A_215 = vector.broadcast %min3A : i32 to vector<16xi32>
          %min3A_216 = arith.minsi %convert_element_type3A, %min3A_215 : vector<16xi32>
          %jit3A_217 = arith.constant 0 : i32
          %broadcast_in_dim3A_218 = vector.broadcast %jit3A_217 : i32 to vector<16xi32>
          %select_n3A_219 = arith.select %lt3A_211, %min3A_216, %broadcast_in_dim3A_218 : vector<16xi1>, vector<16xi32>
          %lt3A_220 = vector.broadcast %select_n3A_102 : i32 to vector<16xi32>
          %lt3A_221 = arith.cmpi slt, %select_n3A_219, %lt3A_220 : vector<16xi32>
          %and3A_222 = arith.andi %lt3A_211, %lt3A_221 : vector<16xi1>
          %eq3A_223 = vector.broadcast %select_n3A_102 : i32 to vector<16xi32>
          %eq3A_224 = arith.cmpi eq, %select_n3A_219, %eq3A_223 : vector<16xi32>
          %and3A_225 = arith.andi %lt3A_211, %eq3A_224 : vector<16xi1>
          %swap3A_226 = arith.index_cast %scan3A_196 : i32 to index
          %swap3A_227 = tpu.vector_load %arg20[%swap3A_226] masked %and3A_222 {strides = array<i32>} : memref<80xi32, #tpu.memory_space<vmem>>, vector<16xi32>, vector<16xi1>
          tpu.vector_store %arg20[%swap3A_226], %get3A_205 masked %and3A_222 {strides = array<i32>} : memref<80xi32, #tpu.memory_space<vmem>>, vector<16xi32>, vector<16xi1>
          %swap3A_228 = arith.index_cast %scan3A_197 : i32 to index
          %swap3A_229 = tpu.vector_load %arg23[%swap3A_228] masked %and3A_225 {strides = array<i32>} : memref<4096xf32, #tpu.memory_space<vmem>>, vector<16xf32>, vector<16xi1>
          tpu.vector_store %arg23[%swap3A_228], %get3A_201 masked %and3A_225 {strides = array<i32>} : memref<4096xf32, #tpu.memory_space<vmem>>, vector<16xf32>, vector<16xi1>
          %swap3A_230 = arith.index_cast %scan3A_197 : i32 to index
          %swap3A_231 = tpu.vector_load %arg24[%swap3A_230] masked %and3A_225 {strides = array<i32>} : memref<4096xi32, #tpu.memory_space<vmem>>, vector<16xi32>, vector<16xi1>
          tpu.vector_store %arg24[%swap3A_230], %get3A_205 masked %and3A_225 {strides = array<i32>} : memref<4096xi32, #tpu.memory_space<vmem>>, vector<16xi32>, vector<16xi1>
          %all_reduce_population_count3A_232 = tpu.all_reduce %and3A_222 {dim = 0 : i64, kind = #tpu.reduction_kind<sum>} : vector<16xi1> -> vector<16xi32>
          %reduce_max3A_233 = arith.constant true
          %reduce_max3A_234 = vector.broadcast %reduce_max3A_233 : i1 to vector<16xi1>
          %reduce_max3A_235 = arith.constant -2147483648 : i32
          %reduce_max3A_236 = vector.broadcast %reduce_max3A_235 : i32 to vector<16xi32>
          %reduce_max3A_237 = arith.xori %all_reduce_population_count3A_232, %reduce_max3A_236 : vector<16xi32>
          %reduce_max3A_238 = tpu.scan <max>, %reduce_max3A_237 masked %reduce_max3A_234 : vector<16xi32>, vector<16xi1> -> vector<16xi32>
          %reduce_max3A_239 = arith.xori %reduce_max3A_238, %reduce_max3A_236 : vector<16xi32>
          %reduce_max3A_240 = vector.extract %reduce_max3A_239[15] : i32 from vector<16xi32>
          %add3A_241 = arith.addi %scan3A_196, %reduce_max3A_240 : i32
          %all_reduce_population_count3A_242 = tpu.all_reduce %and3A_225 {dim = 0 : i64, kind = #tpu.reduction_kind<sum>} : vector<16xi1> -> vector<16xi32>
          %reduce_max3A_243 = arith.constant true
          %reduce_max3A_244 = vector.broadcast %reduce_max3A_243 : i1 to vector<16xi1>
          %reduce_max3A_245 = arith.constant -2147483648 : i32
          %reduce_max3A_246 = vector.broadcast %reduce_max3A_245 : i32 to vector<16xi32>
          %reduce_max3A_247 = arith.xori %all_reduce_population_count3A_242, %reduce_max3A_246 : vector<16xi32>
          %reduce_max3A_248 = tpu.scan <max>, %reduce_max3A_247 masked %reduce_max3A_244 : vector<16xi32>, vector<16xi1> -> vector<16xi32>
          %reduce_max3A_249 = arith.xori %reduce_max3A_248, %reduce_max3A_246 : vector<16xi32>
          %reduce_max3A_250 = vector.extract %reduce_max3A_249[15] : i32 from vector<16xi32>
          %add3A_251 = arith.addi %scan3A_197, %reduce_max3A_250 : i32
          %min3A_252 = arith.constant 4080 : i32
          %min3A_253 = arith.minsi %add3A_251, %min3A_252 : i32
          scf.yield %add3A_241, %min3A_253 : i32, i32
        }
        %scan3A_132 = arith.constant 32 : i32
        %get3A = arith.constant 0 : index
        %get3A_133 = tpu.vector_load %arg23[%get3A] {strides = array<i32>} : memref<4096xf32, #tpu.memory_space<vmem>>, vector<16xf32>,
        %get3A_134 = arith.constant 0 : index
        %get3A_135 = tpu.vector_load %arg24[%get3A_134] {strides = array<i32>} : memref<4096xi32, #tpu.memory_space<vmem>>, vector<16xi32>,
        %masked_sort3A = arith.constant dense<true> : vector<16xi1>
        %masked_sort3A_136, %masked_sort3A_137, %masked_sort3A_138 = tpu.sort %get3A_133, %get3A_135 masked %masked_sort3A : (vector<16xf32>, vector<16xi32>, vector<16xi1>) -> (vector<16xi1>, vector<16xf32>, vector<16xi32>)
        %sub3A_139 = arith.constant 1 : i32
        %sub3A_140 = arith.subi %select_n3A_108, %sub3A_139 : i32
        %eq3A_141 = vector.broadcast %sub3A_140 : i32 to vector<16xi32>
        %eq3A_142 = arith.cmpi eq, %iota3A, %eq3A_141 : vector<16xi32>
        %jit3A_143 = arith.constant 0.000000e+00 : f32
        %broadcast_in_dim3A_144 = vector.broadcast %jit3A_143 : f32 to vector<16xf32>
        %select_n3A_145 = arith.select %eq3A_142, %masked_sort3A_137, %broadcast_in_dim3A_144 : vector<16xi1>, vector<16xf32>
        %reduce_sum3A = arith.constant true
        %reduce_sum3A_146 = vector.broadcast %reduce_sum3A : i1 to vector<16xi1>
        %reduce_sum3A_147 = tpu.scan <sum>, %select_n3A_145 masked %reduce_sum3A_146 : vector<16xf32>, vector<16xi1> -> vector<16xf32>
        %reduce_sum3A_148 = vector.extract %reduce_sum3A_147[15] : f32 from vector<16xf32>
        %lt3A = vector.broadcast %reduce_sum3A_148 : f32 to vector<16xf32>
        %lt3A_149 = arith.cmpf olt, %get3A_133, %lt3A : vector<16xf32>
        %all_reduce_population_count3A = tpu.all_reduce %lt3A_149 {dim = 0 : i64, kind = #tpu.reduction_kind<sum>} : vector<16xi1> -> vector<16xi32>
        %reduce_max3A = arith.constant true
        %reduce_max3A_150 = vector.broadcast %reduce_max3A : i1 to vector<16xi1>
        %reduce_max3A_151 = arith.constant -2147483648 : i32
        %reduce_max3A_152 = vector.broadcast %reduce_max3A_151 : i32 to vector<16xi32>
        %reduce_max3A_153 = arith.xori %all_reduce_population_count3A, %reduce_max3A_152 : vector<16xi32>
        %reduce_max3A_154 = tpu.scan <max>, %reduce_max3A_153 masked %reduce_max3A_150 : vector<16xi32>, vector<16xi1> -> vector<16xi32>
        %reduce_max3A_155 = arith.xori %reduce_max3A_154, %reduce_max3A_152 : vector<16xi32>
        %reduce_max3A_156 = vector.extract %reduce_max3A_155[15] : i32 from vector<16xi32>
        %sub3A_157 = arith.subi %select_n3A_108, %reduce_max3A_156 : i32
        %eq3A_158 = vector.broadcast %reduce_sum3A_148 : f32 to vector<16xf32>
        %eq3A_159 = arith.cmpf oeq, %get3A_133, %eq3A_158 : vector<16xf32>
        %jit3A_160 = arith.constant 1 : i32
        %jit3A_161 = arith.constant 0 : i32
        %broadcast_in_dim3A_162 = vector.broadcast %jit3A_160 : i32 to vector<16xi32>
        %broadcast_in_dim3A_163 = vector.broadcast %jit3A_161 : i32 to vector<16xi32>
        %select_n3A_164 = arith.select %eq3A_159, %broadcast_in_dim3A_162, %broadcast_in_dim3A_163 : vector<16xi1>, vector<16xi32>
        %broadcast_in_dim3A_165 = arith.constant true
        %broadcast_in_dim3A_166 = vector.broadcast %broadcast_in_dim3A_165 : i1 to vector<16xi1>
        %masked_cumsum3A = tpu.scan <sum>, %select_n3A_164 masked %broadcast_in_dim3A_166 : vector<16xi32>, vector<16xi1> -> vector<16xi32>
        %lt3A_167 = vector.broadcast %reduce_sum3A_148 : f32 to vector<16xf32>
        %lt3A_168 = arith.cmpf olt, %get3A_133, %lt3A_167 : vector<16xf32>
        %le3A = vector.broadcast %sub3A_157 : i32 to vector<16xi32>
        %le3A_169 = arith.cmpi sle, %masked_cumsum3A, %le3A : vector<16xi32>
        %and3A_170 = arith.andi %eq3A_159, %le3A_169 : vector<16xi1>
        %or3A = arith.ori %lt3A_168, %and3A_170 : vector<16xi1>
        %swap3A_171 = arith.index_cast %scan3A_131#0 : i32 to index
        %swap3A_172 = tpu.vector_load %arg20[%swap3A_171] masked %or3A {strides = array<i32>} : memref<80xi32, #tpu.memory_space<vmem>>, vector<16xi32>, vector<16xi1>
        tpu.vector_store %arg20[%swap3A_171], %get3A_135 masked %or3A {strides = array<i32>} : memref<80xi32, #tpu.memory_space<vmem>>, vector<16xi32>, vector<16xi1>
        %add3A_173 = arith.addi %scan3A_131#0, %select_n3A_108 : i32
        %eq3A_174 = vector.broadcast %scan3A_58 : i32 to vector<16xi32>
        %eq3A_175 = arith.cmpi eq, %iota3A, %eq3A_174 : vector<16xi32>
        %broadcast_in_dim3A_176 = vector.broadcast %add3A_173 : i32 to vector<16xi32>
        %select_n3A_177 = arith.select %eq3A_175, %broadcast_in_dim3A_176, %scan3A_59 : vector<16xi1>, vector<16xi32>
        %scan3A_178 = arith.constant 0 : i32
        %scan3A_179 = arith.constant 0 : i32
        %scan3A_180 = arith.constant 4 : i32
        %scan3A_181 = arith.addi %scan3A_179, %scan3A_180 : i32
        %scan3A_182 = arith.constant 1 : i32
        %scan3A_183 = scf.for %scan3A_195 = %scan3A_179 to %scan3A_181 step %scan3A_182 iter_args(%scan3A_196 = %scan3A_178) -> (i32)  : i32 {
          %mul3A_197 = arith.constant 16 : i32
          %mul3A_198 = arith.muli %scan3A_195, %mul3A_197 : i32
          %get3A_199 = arith.index_cast %mul3A_198 : i32 to index
          %get3A_200 = tpu.vector_load %arg20[%get3A_199] {strides = array<i32>} : memref<80xi32, #tpu.memory_space<vmem>>, vector<16xi32>,
          %add3A_201 = vector.broadcast %mul3A_25 : i32 to vector<16xi32>
          %add3A_202 = arith.addi %get3A_200, %add3A_201 : vector<16xi32>
          %mul3A_203 = arith.constant 16 : i32
          %mul3A_204 = arith.muli %scan3A_195, %mul3A_203 : i32
          %swap3A_205 = arith.index_cast %mul3A_204 : i32 to index
          %swap3A_206 = tpu.vector_load %arg32[%swap3A_205] {strides = array<i32>} : memref<64xi32, #tpu.memory_space<vmem>>, vector<16xi32>,
          tpu.vector_store %arg32[%swap3A_205], %add3A_202 {strides = array<i32>} : memref<64xi32, #tpu.memory_space<vmem>>, vector<16xi32>,
          %gather3A = tpu.vector_load_idx %arg25[%get3A_200] : memref<4096xf32, #tpu.memory_space<vmem>>[vector<16xi32>], vector<16xf32>,
          %gather3A_207 = tpu.vector_load_idx %arg26[%get3A_200] : memref<4096xf32, #tpu.memory_space<vmem>>[vector<16xi32>], vector<16xf32>,
          %gather3A_208 = tpu.vector_load_idx %arg27[%get3A_200] : memref<4096xf32, #tpu.memory_space<vmem>>[vector<16xi32>], vector<16xf32>,
          %eq3A_209 = vector.broadcast %scan3A_58 : i32 to vector<16xi32>
          %eq3A_210 = arith.cmpi eq, %iota3A, %eq3A_209 : vector<16xi32>
          %mul3A_211 = arith.constant 16 : i32
          %mul3A_212 = arith.muli %scan3A_46, %mul3A_211 : i32
          %get3A_213 = arith.index_cast %mul3A_212 : i32 to index
          %get3A_214 = tpu.vector_load %arg28[%get3A_213] {strides = array<i32>} : memref<128xf32, #tpu.memory_space<vmem>>, vector<16xf32>,
          %jit3A_215 = arith.constant 0.000000e+00 : f32
          %broadcast_in_dim3A_216 = vector.broadcast %jit3A_215 : f32 to vector<16xf32>
          %select_n3A_217 = arith.select %eq3A_210, %get3A_214, %broadcast_in_dim3A_216 : vector<16xi1>, vector<16xf32>
          %reduce_sum3A_218 = arith.constant true
          %reduce_sum3A_219 = vector.broadcast %reduce_sum3A_218 : i1 to vector<16xi1>
          %reduce_sum3A_220 = tpu.scan <sum>, %select_n3A_217 masked %reduce_sum3A_219 : vector<16xf32>, vector<16xi1> -> vector<16xf32>
          %reduce_sum3A_221 = vector.extract %reduce_sum3A_220[15] : f32 from vector<16xf32>
          %eq3A_222 = vector.broadcast %scan3A_58 : i32 to vector<16xi32>
          %eq3A_223 = arith.cmpi eq, %iota3A, %eq3A_222 : vector<16xi32>
          %mul3A_224 = arith.constant 16 : i32
          %mul3A_225 = arith.muli %scan3A_46, %mul3A_224 : i32
          %get3A_226 = arith.index_cast %mul3A_225 : i32 to index
          %get3A_227 = tpu.vector_load %arg29[%get3A_226] {strides = array<i32>} : memref<128xf32, #tpu.memory_space<vmem>>, vector<16xf32>,
          %jit3A_228 = arith.constant 0.000000e+00 : f32
          %broadcast_in_dim3A_229 = vector.broadcast %jit3A_228 : f32 to vector<16xf32>
          %select_n3A_230 = arith.select %eq3A_223, %get3A_227, %broadcast_in_dim3A_229 : vector<16xi1>, vector<16xf32>
          %reduce_sum3A_231 = arith.constant true
          %reduce_sum3A_232 = vector.broadcast %reduce_sum3A_231 : i1 to vector<16xi1>
          %reduce_sum3A_233 = tpu.scan <sum>, %select_n3A_230 masked %reduce_sum3A_232 : vector<16xf32>, vector<16xi1> -> vector<16xf32>
          %reduce_sum3A_234 = vector.extract %reduce_sum3A_233[15] : f32 from vector<16xf32>
          %eq3A_235 = vector.broadcast %scan3A_58 : i32 to vector<16xi32>
          %eq3A_236 = arith.cmpi eq, %iota3A, %eq3A_235 : vector<16xi32>
          %mul3A_237 = arith.constant 16 : i32
          %mul3A_238 = arith.muli %scan3A_46, %mul3A_237 : i32
          %get3A_239 = arith.index_cast %mul3A_238 : i32 to index
          %get3A_240 = tpu.vector_load %arg30[%get3A_239] {strides = array<i32>} : memref<128xf32, #tpu.memory_space<vmem>>, vector<16xf32>,
          %jit3A_241 = arith.constant 0.000000e+00 : f32
          %broadcast_in_dim3A_242 = vector.broadcast %jit3A_241 : f32 to vector<16xf32>
          %select_n3A_243 = arith.select %eq3A_236, %get3A_240, %broadcast_in_dim3A_242 : vector<16xi1>, vector<16xf32>
          %reduce_sum3A_244 = arith.constant true
          %reduce_sum3A_245 = vector.broadcast %reduce_sum3A_244 : i1 to vector<16xi1>
          %reduce_sum3A_246 = tpu.scan <sum>, %select_n3A_243 masked %reduce_sum3A_245 : vector<16xf32>, vector<16xi1> -> vector<16xf32>
          %reduce_sum3A_247 = vector.extract %reduce_sum3A_246[15] : f32 from vector<16xf32>
          %mul3A_248 = arith.constant 16 : i32
          %mul3A_249 = arith.muli %scan3A_195, %mul3A_248 : i32
          %add3A_250 = vector.broadcast %mul3A_249 : i32 to vector<16xi32>
          %add3A_251 = arith.addi %add3A_250, %iota3A : vector<16xi32>
          %mul3A_252 = arith.constant 8 : i32
          %mul3A_253 = vector.broadcast %mul3A_252 : i32 to vector<16xi32>
          %mul3A_254 = arith.muli %add3A_251, %mul3A_253 : vector<16xi32>
          %sub3A_255 = vector.broadcast %reduce_sum3A_221 : f32 to vector<16xf32>
          %sub3A_256 = arith.subf %gather3A, %sub3A_255 : vector<16xf32>
          tpu.vector_store_idx %arg34[%mul3A_254], %sub3A_256 : memref<512xf32, #tpu.memory_space<vmem>>[vector<16xi32>], vector<16xf32>,
          %add3A_257 = arith.constant 1 : i32
          %add3A_258 = vector.broadcast %add3A_257 : i32 to vector<16xi32>
          %add3A_259 = arith.addi %mul3A_254, %add3A_258 : vector<16xi32>
          %sub3A_260 = vector.broadcast %reduce_sum3A_234 : f32 to vector<16xf32>
          %sub3A_261 = arith.subf %gather3A_207, %sub3A_260 : vector<16xf32>
          tpu.vector_store_idx %arg34[%add3A_259], %sub3A_261 : memref<512xf32, #tpu.memory_space<vmem>>[vector<16xi32>], vector<16xf32>,
          %add3A_262 = arith.constant 2 : i32
          %add3A_263 = vector.broadcast %add3A_262 : i32 to vector<16xi32>
          %add3A_264 = arith.addi %mul3A_254, %add3A_263 : vector<16xi32>
          %sub3A_265 = vector.broadcast %reduce_sum3A_247 : f32 to vector<16xf32>
          %sub3A_266 = arith.subf %gather3A_208, %sub3A_265 : vector<16xf32>
          tpu.vector_store_idx %arg34[%add3A_264], %sub3A_266 : memref<512xf32, #tpu.memory_space<vmem>>[vector<16xi32>], vector<16xf32>,
          %scan3A_267 = arith.constant 0 : i32
          scf.yield %scan3A_267 : i32
        }
        %scan3A_184 = arith.constant 4 : i32
        %dma_start3A = arith.constant 0 : i32
        %dma_start3A_185 = arith.constant 0 : i32
        %dma_start3A_186 = tpu.memref_slice %arg3[%dma_start3A, %dma_start3A_185] : memref<16384x128xf32, #tpu.memory_space<hbm>> -> memref<16384x128xf32, #tpu.memory_space<hbm>>
        tpu.enqueue_indirect_dma source(%dma_start3A_186 : memref<16384x128xf32, #tpu.memory_space<hbm>>) target(%arg33 : memref<64x128xf32, #tpu.memory_space<vmem>>) offsets(%arg32 : memref<64xi32, #tpu.memory_space<vmem>>) semaphore(%arg40 : memref<!tpu.dma_semaphore, #tpu.memory_space<semaphore_mem>>)
        %dma_wait3A = arith.constant 0 : i32
        %dma_wait3A_187 = arith.constant 0 : i32
        %dma_wait3A_188 = tpu.memref_slice %arg3[%dma_wait3A, %dma_wait3A_187] : memref<16384x128xf32, #tpu.memory_space<hbm>> -> memref<16384x128xf32, #tpu.memory_space<hbm>>
        tpu.wait_indirect_dma semaphore(%arg40 : memref<!tpu.dma_semaphore, #tpu.memory_space<semaphore_mem>>) src(%dma_wait3A_188 : memref<16384x128xf32, #tpu.memory_space<hbm>>) dst(%arg33 : memref<64x128xf32, #tpu.memory_space<vmem>>)
        %mul3A_189 = arith.constant 64 : i32
        %mul3A_190 = arith.muli %add3A_63, %mul3A_189 : i32
        "tpu.region"() ({
          %run_scoped3A = tpu.sem_alloc : memref<!tpu.dma_semaphore, #tpu.memory_space<semaphore_mem>>
          %dma_start3A_195 = arith.constant 0 : i32
          %dma_start3A_196 = tpu.memref_slice %arg13[%mul3A_190, %dma_start3A_195] : memref<262144x128xf32, #tpu.memory_space<hbm>> -> memref<64x128xf32, #tpu.memory_space<hbm>>
          %dma_start3A_197 = arith.constant 0 : i32
          %dma_start3A_198 = tpu.memref_slice %arg13[%mul3A_190, %dma_start3A_197] : memref<262144x128xf32, #tpu.memory_space<hbm>> -> memref<64x128xf32, #tpu.memory_space<hbm>>
          tpu.enqueue_dma source(%arg33 : memref<64x128xf32, #tpu.memory_space<vmem>>) target(%dma_start3A_198 : memref<64x128xf32, #tpu.memory_space<hbm>>) target_semaphore(%run_scoped3A : memref<!tpu.dma_semaphore, #tpu.memory_space<semaphore_mem>>)
          %dma_wait3A_199 = arith.constant 0 : i32
          %dma_wait3A_200 = tpu.memref_slice %arg13[%mul3A_190, %dma_wait3A_199] : memref<262144x128xf32, #tpu.memory_space<hbm>> -> memref<64x128xf32, #tpu.memory_space<hbm>>
          %dma_wait3A_201 = arith.constant 0 : i32
          %dma_wait3A_202 = tpu.memref_slice %arg13[%mul3A_190, %dma_wait3A_201] : memref<262144x128xf32, #tpu.memory_space<hbm>> -> memref<64x128xf32, #tpu.memory_space<hbm>>
          tpu.wait_dma2 semaphore(%run_scoped3A : memref<!tpu.dma_semaphore, #tpu.memory_space<semaphore_mem>>) src(%arg33 : memref<64x128xf32, #tpu.memory_space<vmem>>) dst(%dma_wait3A_202 : memref<64x128xf32, #tpu.memory_space<hbm>>)
          tpu.yield
        }) : () -> ()
        %mul3A_191 = arith.constant 64 : i32
        %mul3A_192 = arith.muli %add3A_63, %mul3A_191 : i32
        %mul3A_193 = arith.constant 8 : i32
        %mul3A_194 = arith.muli %mul3A_192, %mul3A_193 : i32
        "tpu.region"() ({
          %run_scoped3A = tpu.sem_alloc : memref<!tpu.dma_semaphore, #tpu.memory_space<semaphore_mem>>
          %dma_start3A_195 = tpu.memref_slice %arg14[%mul3A_194] : memref<2097152xf32, #tpu.memory_space<hbm>> -> memref<512xf32, #tpu.memory_space<hbm>>
          %dma_start3A_196 = tpu.memref_slice %arg14[%mul3A_194] : memref<2097152xf32, #tpu.memory_space<hbm>> -> memref<512xf32, #tpu.memory_space<hbm>>
          tpu.enqueue_dma source(%arg34 : memref<512xf32, #tpu.memory_space<vmem>>) target(%dma_start3A_196 : memref<512xf32, #tpu.memory_space<hbm>>) target_semaphore(%run_scoped3A : memref<!tpu.dma_semaphore, #tpu.memory_space<semaphore_mem>>)
          %dma_wait3A_197 = tpu.memref_slice %arg14[%mul3A_194] : memref<2097152xf32, #tpu.memory_space<hbm>> -> memref<512xf32, #tpu.memory_space<hbm>>
          %dma_wait3A_198 = tpu.memref_slice %arg14[%mul3A_194] : memref<2097152xf32, #tpu.memory_space<hbm>> -> memref<512xf32, #tpu.memory_space<hbm>>
          tpu.wait_dma2 semaphore(%run_scoped3A : memref<!tpu.dma_semaphore, #tpu.memory_space<semaphore_mem>>) src(%arg34 : memref<512xf32, #tpu.memory_space<vmem>>) dst(%dma_wait3A_198 : memref<512xf32, #tpu.memory_space<hbm>>)
          tpu.yield
        }) : () -> ()
        scf.yield %select_n3A_177 : vector<16xi32>
      }
      %scan3A_53 = arith.constant 16 : i32
      %mul3A_54 = arith.constant 16 : i32
      %mul3A_55 = arith.muli %scan3A_46, %mul3A_54 : i32
      %swap3A = arith.index_cast %mul3A_55 : i32 to index
      %swap3A_56 = tpu.vector_load %arg35[%swap3A] {strides = array<i32>} : memref<128xi32, #tpu.memory_space<vmem>>, vector<16xi32>,
      tpu.vector_store %arg35[%swap3A], %scan3A_52 {strides = array<i32>} : memref<128xi32, #tpu.memory_space<vmem>>, vector<16xi32>,
      %scan3A_57 = arith.constant 0 : i32
      scf.yield %scan3A_57 : i32
    }
    %scan3A_45 = arith.constant 8 : i32
    "tpu.region"() ({
      %run_scoped3A = tpu.sem_alloc : memref<!tpu.dma_semaphore, #tpu.memory_space<semaphore_mem>>
      %dma_start3A = tpu.memref_slice %arg15[%mul3A_18] : memref<4096xi32, #tpu.memory_space<hbm>> -> memref<128xi32, #tpu.memory_space<hbm>>
      %dma_start3A_46 = tpu.memref_slice %arg15[%mul3A_18] : memref<4096xi32, #tpu.memory_space<hbm>> -> memref<128xi32, #tpu.memory_space<hbm>>
      tpu.enqueue_dma source(%arg35 : memref<128xi32, #tpu.memory_space<vmem>>) target(%dma_start3A_46 : memref<128xi32, #tpu.memory_space<hbm>>) target_semaphore(%run_scoped3A : memref<!tpu.dma_semaphore, #tpu.memory_space<semaphore_mem>>)
      %dma_wait3A = tpu.memref_slice %arg15[%mul3A_18] : memref<4096xi32, #tpu.memory_space<hbm>> -> memref<128xi32, #tpu.memory_space<hbm>>
      %dma_wait3A_47 = tpu.memref_slice %arg15[%mul3A_18] : memref<4096xi32, #tpu.memory_space<hbm>> -> memref<128xi32, #tpu.memory_space<hbm>>
      tpu.wait_dma2 semaphore(%run_scoped3A : memref<!tpu.dma_semaphore, #tpu.memory_space<semaphore_mem>>) src(%arg35 : memref<128xi32, #tpu.memory_space<vmem>>) dst(%dma_wait3A_47 : memref<128xi32, #tpu.memory_space<hbm>>)
      tpu.yield
    }) : () -> ()
    return
  }
}

module attributes {stable_mosaic.version = 14 : i64} {
  func.func @_fps_body(%arg0: memref<4x4096xf32, #tpu.memory_space<vmem>>, %arg1: memref<4x4096xf32, #tpu.memory_space<vmem>>, %arg2: memref<4x4096xf32, #tpu.memory_space<vmem>>, %arg3: memref<4x1024xi32, #tpu.memory_space<vmem>>, %arg4: memref<4x1024xf32, #tpu.memory_space<vmem>>, %arg5: memref<4x1024xf32, #tpu.memory_space<vmem>>, %arg6: memref<4x1024xf32, #tpu.memory_space<vmem>>) attributes {dimension_semantics = [], scalar_prefetch = 0 : i64, scratch_operands = 0 : i64, tpu.core_type = #tpu.core_type<tc>} {
    %get3A = arith.constant 0 : index
    %get3A_0 = arith.constant 0 : index
    %get3A_1 = vector.load %arg0[%get3A, %get3A_0] : memref<4x4096xf32, #tpu.memory_space<vmem>>, vector<4x4096xf32>
    %get3A_2 = arith.constant 0 : index
    %get3A_3 = arith.constant 0 : index
    %get3A_4 = vector.load %arg1[%get3A_2, %get3A_3] : memref<4x4096xf32, #tpu.memory_space<vmem>>, vector<4x4096xf32>
    %get3A_5 = arith.constant 0 : index
    %get3A_6 = arith.constant 0 : index
    %get3A_7 = vector.load %arg2[%get3A_5, %get3A_6] : memref<4x4096xf32, #tpu.memory_space<vmem>>, vector<4x4096xf32>
    %iota3A = tpu.iota {dimensions = array<i32: 1>} : vector<4x4096xi32>
    %iota3A_8 = tpu.iota {dimensions = array<i32: 1>} : vector<4x128xi32>
    %broadcast_in_dim3A = arith.constant 0x7F800000 : f32
    %broadcast_in_dim3A_9 = vector.broadcast %broadcast_in_dim3A : f32 to vector<4x4096xf32>
    %broadcast_in_dim3A_10 = arith.constant 0 : i32
    %broadcast_in_dim3A_11 = vector.broadcast %broadcast_in_dim3A_10 : i32 to vector<4x1xi32>
    %scan3A = arith.constant 0 : i32
    %scan3A_12 = arith.constant 8 : i32
    %scan3A_13 = arith.addi %scan3A, %scan3A_12 : i32
    %scan3A_14 = arith.constant 1 : i32
    %scan3A_15:2 = scf.for %scan3A_17 = %scan3A to %scan3A_13 step %scan3A_14 iter_args(%scan3A_18 = %broadcast_in_dim3A_9, %scan3A_19 = %broadcast_in_dim3A_11) -> (vector<4x4096xf32>, vector<4x1xi32>)  : i32 {
      %broadcast_in_dim3A_20 = arith.constant 0 : i32
      %broadcast_in_dim3A_21 = vector.broadcast %broadcast_in_dim3A_20 : i32 to vector<4x128xi32>
      %broadcast_in_dim3A_22 = arith.constant 0.000000e+00 : f32
      %broadcast_in_dim3A_23 = vector.broadcast %broadcast_in_dim3A_22 : f32 to vector<4x128xf32>
      %broadcast_in_dim3A_24 = arith.constant 0.000000e+00 : f32
      %broadcast_in_dim3A_25 = vector.broadcast %broadcast_in_dim3A_24 : f32 to vector<4x128xf32>
      %broadcast_in_dim3A_26 = arith.constant 0.000000e+00 : f32
      %broadcast_in_dim3A_27 = vector.broadcast %broadcast_in_dim3A_26 : f32 to vector<4x128xf32>
      %scan3A_28 = arith.constant 0 : i32
      %scan3A_29 = arith.constant 128 : i32
      %scan3A_30 = arith.addi %scan3A_28, %scan3A_29 : i32
      %scan3A_31 = arith.constant 1 : i32
      %scan3A_32:6 = scf.for %scan3A_46 = %scan3A_28 to %scan3A_30 step %scan3A_31 iter_args(%scan3A_47 = %scan3A_18, %scan3A_48 = %scan3A_19, %scan3A_49 = %broadcast_in_dim3A_21, %scan3A_50 = %broadcast_in_dim3A_23, %scan3A_51 = %broadcast_in_dim3A_25, %scan3A_52 = %broadcast_in_dim3A_27) -> (vector<4x4096xf32>, vector<4x1xi32>, vector<4x128xi32>, vector<4x128xf32>, vector<4x128xf32>, vector<4x128xf32>)  : i32 {
        %eq3A = vector.broadcast %scan3A_48 : vector<4x1xi32> to vector<4x4096xi32>
        %eq3A_53 = arith.cmpi eq, %iota3A, %eq3A : vector<4x4096xi32>
        %jit3A = arith.constant 0.000000e+00 : f32
        %broadcast_in_dim3A_54 = vector.broadcast %jit3A : f32 to vector<4x4096xf32>
        %select_n3A = arith.select %eq3A_53, %get3A_1, %broadcast_in_dim3A_54 : vector<4x4096xi1>, vector<4x4096xf32>
        %reduce_sum3A = arith.constant dense<0.000000e+00> : vector<4xf32>
        %reduce_sum3A_55 = vector.multi_reduction <add>, %select_n3A, %reduce_sum3A [1] : vector<4x4096xf32> to vector<4xf32>
        %broadcast_in_dim3A_56 = vector.shape_cast %reduce_sum3A_55 : vector<4xf32> to vector<4x1xf32>
        %jit3A_57 = arith.constant 0.000000e+00 : f32
        %broadcast_in_dim3A_58 = vector.broadcast %jit3A_57 : f32 to vector<4x4096xf32>
        %select_n3A_59 = arith.select %eq3A_53, %get3A_4, %broadcast_in_dim3A_58 : vector<4x4096xi1>, vector<4x4096xf32>
        %reduce_sum3A_60 = arith.constant dense<0.000000e+00> : vector<4xf32>
        %reduce_sum3A_61 = vector.multi_reduction <add>, %select_n3A_59, %reduce_sum3A_60 [1] : vector<4x4096xf32> to vector<4xf32>
        %broadcast_in_dim3A_62 = vector.shape_cast %reduce_sum3A_61 : vector<4xf32> to vector<4x1xf32>
        %jit3A_63 = arith.constant 0.000000e+00 : f32
        %broadcast_in_dim3A_64 = vector.broadcast %jit3A_63 : f32 to vector<4x4096xf32>
        %select_n3A_65 = arith.select %eq3A_53, %get3A_7, %broadcast_in_dim3A_64 : vector<4x4096xi1>, vector<4x4096xf32>
        %reduce_sum3A_66 = arith.constant dense<0.000000e+00> : vector<4xf32>
        %reduce_sum3A_67 = vector.multi_reduction <add>, %select_n3A_65, %reduce_sum3A_66 [1] : vector<4x4096xf32> to vector<4xf32>
        %broadcast_in_dim3A_68 = vector.shape_cast %reduce_sum3A_67 : vector<4xf32> to vector<4x1xf32>
        %sub3A = vector.broadcast %broadcast_in_dim3A_56 : vector<4x1xf32> to vector<4x4096xf32>
        %sub3A_69 = arith.subf %get3A_1, %sub3A : vector<4x4096xf32>
        %sub3A_70 = vector.broadcast %broadcast_in_dim3A_62 : vector<4x1xf32> to vector<4x4096xf32>
        %sub3A_71 = arith.subf %get3A_4, %sub3A_70 : vector<4x4096xf32>
        %sub3A_72 = vector.broadcast %broadcast_in_dim3A_68 : vector<4x1xf32> to vector<4x4096xf32>
        %sub3A_73 = arith.subf %get3A_7, %sub3A_72 : vector<4x4096xf32>
        %mul3A_74 = arith.mulf %sub3A_69, %sub3A_69 : vector<4x4096xf32>
        %mul3A_75 = arith.mulf %sub3A_71, %sub3A_71 : vector<4x4096xf32>
        %add3A = arith.addf %mul3A_74, %mul3A_75 : vector<4x4096xf32>
        %mul3A_76 = arith.mulf %sub3A_73, %sub3A_73 : vector<4x4096xf32>
        %add3A_77 = arith.addf %add3A, %mul3A_76 : vector<4x4096xf32>
        %min3A = arith.minimumf %scan3A_47, %add3A_77 : vector<4x4096xf32>
        %eq3A_78 = vector.broadcast %scan3A_46 : i32 to vector<4x128xi32>
        %eq3A_79 = arith.cmpi eq, %iota3A_8, %eq3A_78 : vector<4x128xi32>
        %broadcast_in_dim3A_80 = vector.shape_cast %scan3A_48 : vector<4x1xi32> to vector<4x1xi32>
        %broadcast_in_dim3A_81 = vector.broadcast %broadcast_in_dim3A_80 : vector<4x1xi32> to vector<4x128xi32>
        %select_n3A_82 = arith.select %eq3A_79, %broadcast_in_dim3A_81, %scan3A_49 : vector<4x128xi1>, vector<4x128xi32>
        %broadcast_in_dim3A_83 = vector.shape_cast %broadcast_in_dim3A_56 : vector<4x1xf32> to vector<4x1xf32>
        %broadcast_in_dim3A_84 = vector.broadcast %broadcast_in_dim3A_83 : vector<4x1xf32> to vector<4x128xf32>
        %select_n3A_85 = arith.select %eq3A_79, %broadcast_in_dim3A_84, %scan3A_50 : vector<4x128xi1>, vector<4x128xf32>
        %broadcast_in_dim3A_86 = vector.shape_cast %broadcast_in_dim3A_62 : vector<4x1xf32> to vector<4x1xf32>
        %broadcast_in_dim3A_87 = vector.broadcast %broadcast_in_dim3A_86 : vector<4x1xf32> to vector<4x128xf32>
        %select_n3A_88 = arith.select %eq3A_79, %broadcast_in_dim3A_87, %scan3A_51 : vector<4x128xi1>, vector<4x128xf32>
        %broadcast_in_dim3A_89 = vector.shape_cast %broadcast_in_dim3A_68 : vector<4x1xf32> to vector<4x1xf32>
        %broadcast_in_dim3A_90 = vector.broadcast %broadcast_in_dim3A_89 : vector<4x1xf32> to vector<4x128xf32>
        %select_n3A_91 = arith.select %eq3A_79, %broadcast_in_dim3A_90, %scan3A_52 : vector<4x128xi1>, vector<4x128xf32>
        %reduce_max3A = arith.constant dense<0xFF800000> : vector<4xf32>
        %reduce_max3A_92 = vector.multi_reduction <maximumf>, %min3A, %reduce_max3A [1] : vector<4x4096xf32> to vector<4xf32>
        %broadcast_in_dim3A_93 = vector.shape_cast %reduce_max3A_92 : vector<4xf32> to vector<4x1xf32>
        %eq3A_94 = vector.broadcast %broadcast_in_dim3A_93 : vector<4x1xf32> to vector<4x4096xf32>
        %eq3A_95 = arith.cmpf oeq, %min3A, %eq3A_94 : vector<4x4096xf32>
        %jit3A_96 = arith.constant 4096 : i32
        %broadcast_in_dim3A_97 = vector.broadcast %jit3A_96 : i32 to vector<4x4096xi32>
        %select_n3A_98 = arith.select %eq3A_95, %iota3A, %broadcast_in_dim3A_97 : vector<4x4096xi1>, vector<4x4096xi32>
        %reduce_min3A = arith.constant dense<2147483647> : vector<4xi32>
        %reduce_min3A_99 = vector.multi_reduction <minsi>, %select_n3A_98, %reduce_min3A [1] : vector<4x4096xi32> to vector<4xi32>
        %broadcast_in_dim3A_100 = vector.shape_cast %reduce_min3A_99 : vector<4xi32> to vector<4x1xi32>
        scf.yield %min3A, %broadcast_in_dim3A_100, %select_n3A_82, %select_n3A_85, %select_n3A_88, %select_n3A_91 : vector<4x4096xf32>, vector<4x1xi32>, vector<4x128xi32>, vector<4x128xf32>, vector<4x128xf32>, vector<4x128xf32>
      }
      %scan3A_33 = arith.constant 128 : i32
      %mul3A = arith.constant 128 : i32
      %mul3A_34 = arith.muli %scan3A_17, %mul3A : i32
      %multiple_of3A = tpu.assume_multiple %mul3A_34, 128 : i32
      %swap3A = arith.constant 0 : index
      %swap3A_35 = arith.index_cast %multiple_of3A : i32 to index
      %swap3A_36 = vector.load %arg3[%swap3A, %swap3A_35] : memref<4x1024xi32, #tpu.memory_space<vmem>>, vector<4x128xi32>
      tpu.vector_store %arg3[%swap3A, %swap3A_35], %scan3A_32#2 {strides = array<i32>} : memref<4x1024xi32, #tpu.memory_space<vmem>>, vector<4x128xi32>,
      %swap3A_37 = arith.constant 0 : index
      %swap3A_38 = arith.index_cast %multiple_of3A : i32 to index
      %swap3A_39 = vector.load %arg4[%swap3A_37, %swap3A_38] : memref<4x1024xf32, #tpu.memory_space<vmem>>, vector<4x128xf32>
      tpu.vector_store %arg4[%swap3A_37, %swap3A_38], %scan3A_32#3 {strides = array<i32>} : memref<4x1024xf32, #tpu.memory_space<vmem>>, vector<4x128xf32>,
      %swap3A_40 = arith.constant 0 : index
      %swap3A_41 = arith.index_cast %multiple_of3A : i32 to index
      %swap3A_42 = vector.load %arg5[%swap3A_40, %swap3A_41] : memref<4x1024xf32, #tpu.memory_space<vmem>>, vector<4x128xf32>
      tpu.vector_store %arg5[%swap3A_40, %swap3A_41], %scan3A_32#4 {strides = array<i32>} : memref<4x1024xf32, #tpu.memory_space<vmem>>, vector<4x128xf32>,
      %swap3A_43 = arith.constant 0 : index
      %swap3A_44 = arith.index_cast %multiple_of3A : i32 to index
      %swap3A_45 = vector.load %arg6[%swap3A_43, %swap3A_44] : memref<4x1024xf32, #tpu.memory_space<vmem>>, vector<4x128xf32>
      tpu.vector_store %arg6[%swap3A_43, %swap3A_44], %scan3A_32#5 {strides = array<i32>} : memref<4x1024xf32, #tpu.memory_space<vmem>>, vector<4x128xf32>,
      scf.yield %scan3A_32#0, %scan3A_32#1 : vector<4x4096xf32>, vector<4x1xi32>
    }
    %scan3A_16 = arith.constant 8 : i32
    return
  }
}

module attributes {stable_mosaic.version = 14 : i64} {
  func.func @_keys_body(%arg0: i32, %arg1: i32, %arg2: memref<1x256x1xf32, #tpu.memory_space<vmem>>, %arg3: memref<1x256x1xf32, #tpu.memory_space<vmem>>, %arg4: memref<1x256x1xf32, #tpu.memory_space<vmem>>, %arg5: memref<1x1x4096xf32, #tpu.memory_space<vmem>>, %arg6: memref<1x1x4096xf32, #tpu.memory_space<vmem>>, %arg7: memref<1x1x4096xf32, #tpu.memory_space<vmem>>, %arg8: memref<1x256x4096xf32, #tpu.memory_space<vmem>>) attributes {dimension_semantics = [#tpu.dimension_semantics<arbitrary>, #tpu.dimension_semantics<arbitrary>], iteration_bounds = array<i64: 4, 4>, scalar_prefetch = 0 : i64, scratch_operands = 0 : i64, tpu.core_type = #tpu.core_type<tc>, window_params = [{transform_indices = @transform_0, window_bounds = array<i64: 1, 256, 1>}, {transform_indices = @transform_1, window_bounds = array<i64: 1, 256, 1>}, {transform_indices = @transform_2, window_bounds = array<i64: 1, 256, 1>}, {transform_indices = @transform_3, window_bounds = array<i64: 1, 1, 4096>}, {transform_indices = @transform_4, window_bounds = array<i64: 1, 1, 4096>}, {transform_indices = @transform_5, window_bounds = array<i64: 1, 1, 4096>}, {transform_indices = @transform_6, window_bounds = array<i64: 1, 256, 4096>}]} {
    %get3A = arith.constant 0 : index
    %get3A_0 = arith.constant 0 : index
    %get3A_1 = arith.constant 0 : index
    %get3A_2 = vector.load %arg2[%get3A, %get3A_0, %get3A_1] : memref<1x256x1xf32, #tpu.memory_space<vmem>>, vector<1x256x1xf32>
    %get3A_3 = vector.shape_cast %get3A_2 : vector<1x256x1xf32> to vector<256x1xf32>
    %get3A_4 = arith.constant 0 : index
    %get3A_5 = arith.constant 0 : index
    %get3A_6 = arith.constant 0 : index
    %get3A_7 = vector.load %arg3[%get3A_4, %get3A_5, %get3A_6] : memref<1x256x1xf32, #tpu.memory_space<vmem>>, vector<1x256x1xf32>
    %get3A_8 = vector.shape_cast %get3A_7 : vector<1x256x1xf32> to vector<256x1xf32>
    %get3A_9 = arith.constant 0 : index
    %get3A_10 = arith.constant 0 : index
    %get3A_11 = arith.constant 0 : index
    %get3A_12 = vector.load %arg4[%get3A_9, %get3A_10, %get3A_11] : memref<1x256x1xf32, #tpu.memory_space<vmem>>, vector<1x256x1xf32>
    %get3A_13 = vector.shape_cast %get3A_12 : vector<1x256x1xf32> to vector<256x1xf32>
    %get3A_14 = arith.constant 0 : index
    %get3A_15 = arith.constant 0 : index
    %get3A_16 = arith.constant 0 : index
    %get3A_17 = vector.load %arg5[%get3A_14, %get3A_15, %get3A_16] : memref<1x1x4096xf32, #tpu.memory_space<vmem>>, vector<1x1x4096xf32>
    %get3A_18 = vector.shape_cast %get3A_17 : vector<1x1x4096xf32> to vector<1x4096xf32>
    %get3A_19 = arith.constant 0 : index
    %get3A_20 = arith.constant 0 : index
    %get3A_21 = arith.constant 0 : index
    %get3A_22 = vector.load %arg6[%get3A_19, %get3A_20, %get3A_21] : memref<1x1x4096xf32, #tpu.memory_space<vmem>>, vector<1x1x4096xf32>
    %get3A_23 = vector.shape_cast %get3A_22 : vector<1x1x4096xf32> to vector<1x4096xf32>
    %get3A_24 = arith.constant 0 : index
    %get3A_25 = arith.constant 0 : index
    %get3A_26 = arith.constant 0 : index
    %get3A_27 = vector.load %arg7[%get3A_24, %get3A_25, %get3A_26] : memref<1x1x4096xf32, #tpu.memory_space<vmem>>, vector<1x1x4096xf32>
    %get3A_28 = vector.shape_cast %get3A_27 : vector<1x1x4096xf32> to vector<1x4096xf32>
    %mul3A = arith.mulf %get3A_3, %get3A_3 : vector<256x1xf32>
    %mul3A_29 = arith.mulf %get3A_8, %get3A_8 : vector<256x1xf32>
    %add3A = arith.addf %mul3A, %mul3A_29 : vector<256x1xf32>
    %mul3A_30 = arith.mulf %get3A_13, %get3A_13 : vector<256x1xf32>
    %add3A_31 = arith.addf %add3A, %mul3A_30 : vector<256x1xf32>
    %mul3A_32 = arith.mulf %get3A_18, %get3A_18 : vector<1x4096xf32>
    %mul3A_33 = arith.mulf %get3A_23, %get3A_23 : vector<1x4096xf32>
    %add3A_34 = arith.addf %mul3A_32, %mul3A_33 : vector<1x4096xf32>
    %mul3A_35 = arith.mulf %get3A_28, %get3A_28 : vector<1x4096xf32>
    %add3A_36 = arith.addf %add3A_34, %mul3A_35 : vector<1x4096xf32>
    %convert_element_type3A = arith.truncf %get3A_3 : vector<256x1xf32> to vector<256x1xbf16>
    %convert_element_type3A_37 = arith.extf %convert_element_type3A : vector<256x1xbf16> to vector<256x1xf32>
    %convert_element_type3A_38 = arith.truncf %get3A_18 : vector<1x4096xf32> to vector<1x4096xbf16>
    %convert_element_type3A_39 = arith.extf %convert_element_type3A_38 : vector<1x4096xbf16> to vector<1x4096xf32>
    %mul3A_40 = vector.broadcast %convert_element_type3A_37 : vector<256x1xf32> to vector<256x4096xf32>
    %mul3A_41 = vector.broadcast %convert_element_type3A_39 : vector<1x4096xf32> to vector<256x4096xf32>
    %mul3A_42 = arith.mulf %mul3A_40, %mul3A_41 : vector<256x4096xf32>
    %convert_element_type3A_43 = arith.truncf %get3A_8 : vector<256x1xf32> to vector<256x1xbf16>
    %convert_element_type3A_44 = arith.extf %convert_element_type3A_43 : vector<256x1xbf16> to vector<256x1xf32>
    %convert_element_type3A_45 = arith.truncf %get3A_23 : vector<1x4096xf32> to vector<1x4096xbf16>
    %convert_element_type3A_46 = arith.extf %convert_element_type3A_45 : vector<1x4096xbf16> to vector<1x4096xf32>
    %mul3A_47 = vector.broadcast %convert_element_type3A_44 : vector<256x1xf32> to vector<256x4096xf32>
    %mul3A_48 = vector.broadcast %convert_element_type3A_46 : vector<1x4096xf32> to vector<256x4096xf32>
    %mul3A_49 = arith.mulf %mul3A_47, %mul3A_48 : vector<256x4096xf32>
    %add3A_50 = arith.addf %mul3A_42, %mul3A_49 : vector<256x4096xf32>
    %convert_element_type3A_51 = arith.truncf %get3A_13 : vector<256x1xf32> to vector<256x1xbf16>
    %convert_element_type3A_52 = arith.extf %convert_element_type3A_51 : vector<256x1xbf16> to vector<256x1xf32>
    %convert_element_type3A_53 = arith.truncf %get3A_28 : vector<1x4096xf32> to vector<1x4096xbf16>
    %convert_element_type3A_54 = arith.extf %convert_element_type3A_53 : vector<1x4096xbf16> to vector<1x4096xf32>
    %mul3A_55 = vector.broadcast %convert_element_type3A_52 : vector<256x1xf32> to vector<256x4096xf32>
    %mul3A_56 = vector.broadcast %convert_element_type3A_54 : vector<1x4096xf32> to vector<256x4096xf32>
    %mul3A_57 = arith.mulf %mul3A_55, %mul3A_56 : vector<256x4096xf32>
    %add3A_58 = arith.addf %add3A_50, %mul3A_57 : vector<256x4096xf32>
    %add3A_59 = vector.broadcast %add3A_31 : vector<256x1xf32> to vector<256x4096xf32>
    %add3A_60 = vector.broadcast %add3A_36 : vector<1x4096xf32> to vector<256x4096xf32>
    %add3A_61 = arith.addf %add3A_59, %add3A_60 : vector<256x4096xf32>
    %mul3A_62 = arith.constant 2.000000e+00 : f32
    %mul3A_63 = vector.broadcast %mul3A_62 : f32 to vector<256x4096xf32>
    %mul3A_64 = arith.mulf %mul3A_63, %add3A_58 : vector<256x4096xf32>
    %sub3A = arith.subf %add3A_61, %mul3A_64 : vector<256x4096xf32>
    %max3A = arith.constant 0.000000e+00 : f32
    %max3A_65 = vector.broadcast %max3A : f32 to vector<256x4096xf32>
    %max3A_66 = arith.maximumf %sub3A, %max3A_65 : vector<256x4096xf32>
    %le3A = arith.constant 4.000000e-02 : f32
    %le3A_67 = vector.broadcast %le3A : f32 to vector<256x4096xf32>
    %le3A_68 = arith.cmpf ole, %max3A_66, %le3A_67 : vector<256x4096xf32>
    %jit3A = arith.constant 0x7F800000 : f32
    %broadcast_in_dim3A = vector.broadcast %jit3A : f32 to vector<256x4096xf32>
    %select_n3A = arith.select %le3A_68, %max3A_66, %broadcast_in_dim3A : vector<256x4096xi1>, vector<256x4096xf32>
    %swap3A = arith.constant 0 : index
    %swap3A_69 = arith.constant 0 : index
    %swap3A_70 = arith.constant 0 : index
    %swap3A_71 = vector.load %arg8[%swap3A, %swap3A_69, %swap3A_70] : memref<1x256x4096xf32, #tpu.memory_space<vmem>>, vector<1x256x4096xf32>
    %swap3A_72 = vector.shape_cast %swap3A_71 : vector<1x256x4096xf32> to vector<256x4096xf32>
    %swap3A_73 = vector.shape_cast %select_n3A : vector<256x4096xf32> to vector<1x256x4096xf32>
    tpu.vector_store %arg8[%swap3A, %swap3A_69, %swap3A_70], %swap3A_73 {strides = array<i32>} : memref<1x256x4096xf32, #tpu.memory_space<vmem>>, vector<1x256x4096xf32>,
    return
  }
  func.func @transform_0(%arg0: i32, %arg1: i32) -> (i32, i32, i32) {
    %c0_i32 = arith.constant 0 : i32
    %c0_i32_0 = arith.constant 0 : i32
    return %arg0, %arg1, %c0_i32 : i32, i32, i32
  }
  func.func @transform_1(%arg0: i32, %arg1: i32) -> (i32, i32, i32) {
    %c0_i32 = arith.constant 0 : i32
    %c0_i32_0 = arith.constant 0 : i32
    return %arg0, %arg1, %c0_i32 : i32, i32, i32
  }
  func.func @transform_2(%arg0: i32, %arg1: i32) -> (i32, i32, i32) {
    %c0_i32 = arith.constant 0 : i32
    %c0_i32_0 = arith.constant 0 : i32
    return %arg0, %arg1, %c0_i32 : i32, i32, i32
  }
  func.func @transform_3(%arg0: i32, %arg1: i32) -> (i32, i32, i32) {
    %c0_i32 = arith.constant 0 : i32
    %c0_i32_0 = arith.constant 0 : i32
    %c0_i32_1 = arith.constant 0 : i32
    return %arg0, %c0_i32, %c0_i32_0 : i32, i32, i32
  }
  func.func @transform_4(%arg0: i32, %arg1: i32) -> (i32, i32, i32) {
    %c0_i32 = arith.constant 0 : i32
    %c0_i32_0 = arith.constant 0 : i32
    %c0_i32_1 = arith.constant 0 : i32
    return %arg0, %c0_i32, %c0_i32_0 : i32, i32, i32
  }
  func.func @transform_5(%arg0: i32, %arg1: i32) -> (i32, i32, i32) {
    %c0_i32 = arith.constant 0 : i32
    %c0_i32_0 = arith.constant 0 : i32
    %c0_i32_1 = arith.constant 0 : i32
    return %arg0, %c0_i32, %c0_i32_0 : i32, i32, i32
  }
  func.func @transform_6(%arg0: i32, %arg1: i32) -> (i32, i32, i32) {
    %c0_i32 = arith.constant 0 : i32
    %c0_i32_0 = arith.constant 0 : i32
    return %arg0, %arg1, %c0_i32 : i32, i32, i32
  }
}

module attributes {stable_mosaic.version = 14 : i64} {
  func.func @_xw_body(%arg0: i32, %arg1: memref<512x128xf32, #tpu.memory_space<vmem>>, %arg2: memref<128x128xf32, #tpu.memory_space<vmem>>, %arg3: memref<1x128xf32, #tpu.memory_space<vmem>>, %arg4: memref<512x128xf32, #tpu.memory_space<vmem>>) attributes {dimension_semantics = [#tpu.dimension_semantics<arbitrary>], iteration_bounds = array<i64: 32>, scalar_prefetch = 0 : i64, scratch_operands = 0 : i64, tpu.core_type = #tpu.core_type<tc>, window_params = [{transform_indices = @transform_0, window_bounds = array<i64: 512, 128>}, {pipeline_mode = #tpu.pipeline_mode<synchronous>, transform_indices = @transform_1, window_bounds = array<i64: 128, 128>}, {pipeline_mode = #tpu.pipeline_mode<synchronous>, transform_indices = @transform_2, window_bounds = array<i64: 1, 128>}, {transform_indices = @transform_3, window_bounds = array<i64: 512, 128>}]} {
    %get3A = arith.constant 0 : index
    %get3A_0 = arith.constant 0 : index
    %get3A_1 = vector.load %arg1[%get3A, %get3A_0] : memref<512x128xf32, #tpu.memory_space<vmem>>, vector<512x128xf32>
    %convert_element_type3A = arith.truncf %get3A_1 : vector<512x128xf32> to vector<512x128xbf16>
    %get3A_2 = arith.constant 0 : index
    %get3A_3 = arith.constant 0 : index
    %get3A_4 = vector.load %arg2[%get3A_2, %get3A_3] : memref<128x128xf32, #tpu.memory_space<vmem>>, vector<128x128xf32>
    %convert_element_type3A_5 = arith.truncf %get3A_4 : vector<128x128xf32> to vector<128x128xbf16>
    %dot_general3A = arith.constant dense<0.000000e+00> : vector<512x128xf32>
    %dot_general3A_6 = tpu.matmul %convert_element_type3A, %convert_element_type3A_5, %dot_general3A {dimension_numbers = #tpu.dot_dimension_numbers<[1], [0], [0], [1], [0, 0, 1, 1], [], []>, transpose_lhs_hint = false} : vector<512x128xbf16>, vector<128x128xbf16>, vector<512x128xf32> -> vector<512x128xf32>
    %get3A_7 = arith.constant 0 : index
    %get3A_8 = arith.constant 0 : index
    %get3A_9 = vector.load %arg3[%get3A_7, %get3A_8] : memref<1x128xf32, #tpu.memory_space<vmem>>, vector<1x128xf32>
    %add3A = vector.broadcast %get3A_9 : vector<1x128xf32> to vector<512x128xf32>
    %add3A_10 = arith.addf %dot_general3A_6, %add3A : vector<512x128xf32>
    %swap3A = arith.constant 0 : index
    %swap3A_11 = arith.constant 0 : index
    %swap3A_12 = vector.load %arg4[%swap3A, %swap3A_11] : memref<512x128xf32, #tpu.memory_space<vmem>>, vector<512x128xf32>
    tpu.vector_store %arg4[%swap3A, %swap3A_11], %add3A_10 {strides = array<i32>} : memref<512x128xf32, #tpu.memory_space<vmem>>, vector<512x128xf32>,
    return
  }
  func.func @transform_0(%arg0: i32) -> (i32, i32) {
    %c0_i32 = arith.constant 0 : i32
    %c0_i32_0 = arith.constant 0 : i32
    return %arg0, %c0_i32 : i32, i32
  }
  func.func @transform_1(%arg0: i32) -> (i32, i32) {
    %c0_i32 = arith.constant 0 : i32
    %c0_i32_0 = arith.constant 0 : i32
    %c0_i32_1 = arith.constant 0 : i32
    return %c0_i32, %c0_i32_0 : i32, i32
  }
  func.func @transform_2(%arg0: i32) -> (i32, i32) {
    %c0_i32 = arith.constant 0 : i32
    %c0_i32_0 = arith.constant 0 : i32
    %c0_i32_1 = arith.constant 0 : i32
    return %c0_i32, %c0_i32_0 : i32, i32
  }
  func.func @transform_3(%arg0: i32) -> (i32, i32) {
    %c0_i32 = arith.constant 0 : i32
    %c0_i32_0 = arith.constant 0 : i32
    return %arg0, %c0_i32 : i32, i32
  }
}

module attributes {stable_mosaic.version = 14 : i64} {
  func.func @_mlp_body(%arg0: i32, %arg1: memref<4096xi32, #tpu.memory_space<smem>>, %arg2: memref<512x128xf32, #tpu.memory_space<vmem>>, %arg3: memref<512x8xf32, #tpu.memory_space<vmem>>, %arg4: memref<8x128xf32, #tpu.memory_space<vmem>>, %arg5: memref<128x128xf32, #tpu.memory_space<vmem>>, %arg6: memref<1x128xf32, #tpu.memory_space<vmem>>, %arg7: memref<8x128xf32, #tpu.memory_space<vmem>>) attributes {dimension_semantics = [#tpu.dimension_semantics<arbitrary>], iteration_bounds = array<i64: 512>, scalar_prefetch = 1 : i64, scratch_operands = 0 : i64, tpu.core_type = #tpu.core_type<tc>, window_params = [{transform_indices = @transform_0, window_bounds = array<i64: 512, 128>}, {transform_indices = @transform_1, window_bounds = array<i64: 512, 8>}, {pipeline_mode = #tpu.pipeline_mode<synchronous>, transform_indices = @transform_2, window_bounds = array<i64: 8, 128>}, {pipeline_mode = #tpu.pipeline_mode<synchronous>, transform_indices = @transform_3, window_bounds = array<i64: 128, 128>}, {pipeline_mode = #tpu.pipeline_mode<synchronous>, transform_indices = @transform_4, window_bounds = array<i64: 1, 128>}, {transform_indices = @transform_5, window_bounds = array<i64: 8, 128>}]} {
    %get3A = arith.constant 0 : index
    %get3A_0 = arith.constant 0 : index
    %get3A_1 = vector.load %arg3[%get3A, %get3A_0] : memref<512x8xf32, #tpu.memory_space<vmem>>, vector<512x8xf32>
    %convert_element_type3A = arith.truncf %get3A_1 : vector<512x8xf32> to vector<512x8xbf16>
    %get3A_2 = arith.constant 0 : index
    %get3A_3 = arith.constant 0 : index
    %get3A_4 = vector.load %arg4[%get3A_2, %get3A_3] : memref<8x128xf32, #tpu.memory_space<vmem>>, vector<8x128xf32>
    %convert_element_type3A_5 = arith.truncf %get3A_4 : vector<8x128xf32> to vector<8x128xbf16>
    %dot_general3A = arith.constant dense<0.000000e+00> : vector<512x128xf32>
    %dot_general3A_6 = tpu.matmul %convert_element_type3A, %convert_element_type3A_5, %dot_general3A {dimension_numbers = #tpu.dot_dimension_numbers<[1], [0], [0], [1], [0, 0, 1, 1], [], []>, transpose_lhs_hint = false} : vector<512x8xbf16>, vector<8x128xbf16>, vector<512x128xf32> -> vector<512x128xf32>
    %get3A_7 = arith.constant 0 : index
    %get3A_8 = arith.constant 0 : index
    %get3A_9 = vector.load %arg2[%get3A_7, %get3A_8] : memref<512x128xf32, #tpu.memory_space<vmem>>, vector<512x128xf32>
    %add3A = arith.addf %get3A_9, %dot_general3A_6 : vector<512x128xf32>
    %max3A = arith.constant 0.000000e+00 : f32
    %max3A_10 = vector.broadcast %max3A : f32 to vector<512x128xf32>
    %max3A_11 = arith.maximumf %add3A, %max3A_10 : vector<512x128xf32>
    %convert_element_type3A_12 = arith.truncf %max3A_11 : vector<512x128xf32> to vector<512x128xbf16>
    %get3A_13 = arith.constant 0 : index
    %get3A_14 = arith.constant 0 : index
    %get3A_15 = vector.load %arg5[%get3A_13, %get3A_14] : memref<128x128xf32, #tpu.memory_space<vmem>>, vector<128x128xf32>
    %convert_element_type3A_16 = arith.truncf %get3A_15 : vector<128x128xf32> to vector<128x128xbf16>
    %dot_general3A_17 = arith.constant dense<0.000000e+00> : vector<512x128xf32>
    %dot_general3A_18 = tpu.matmul %convert_element_type3A_12, %convert_element_type3A_16, %dot_general3A_17 {dimension_numbers = #tpu.dot_dimension_numbers<[1], [0], [0], [1], [0, 0, 1, 1], [], []>, transpose_lhs_hint = false} : vector<512x128xbf16>, vector<128x128xbf16>, vector<512x128xf32> -> vector<512x128xf32>
    %get3A_19 = arith.constant 0 : index
    %get3A_20 = arith.constant 0 : index
    %get3A_21 = vector.load %arg6[%get3A_19, %get3A_20] : memref<1x128xf32, #tpu.memory_space<vmem>>, vector<1x128xf32>
    %add3A_22 = vector.broadcast %get3A_21 : vector<1x128xf32> to vector<512x128xf32>
    %add3A_23 = arith.addf %dot_general3A_18, %add3A_22 : vector<512x128xf32>
    %iota3A = tpu.iota {dimensions = array<i32: 0>} : vector<64x1xi32>
    %mul3A = arith.constant 8 : i32
    %mul3A_24 = arith.muli %arg0, %mul3A : i32
    %add3A_25 = arith.constant 0 : i32
    %add3A_26 = arith.addi %mul3A_24, %add3A_25 : i32
    %get3A_27 = arith.index_cast %add3A_26 : i32 to index
    %get3A_28 = memref.load %arg1[%get3A_27] : memref<4096xi32, #tpu.memory_space<smem>>
    %slice3A = vector.extract_strided_slice %add3A_23 {offsets = [0, 0], sizes = [64, 128], strides = [1, 1]} : vector<512x128xf32> to vector<64x128xf32>
    %lt3A = vector.broadcast %get3A_28 : i32 to vector<64x1xi32>
    %lt3A_29 = arith.cmpi slt, %iota3A, %lt3A : vector<64x1xi32>
    %jit3A = arith.constant -1.000000e+30 : f32
    %broadcast_in_dim3A = vector.shape_cast %lt3A_29 : vector<64x1xi1> to vector<64x1xi1>
    %broadcast_in_dim3A_30 = vector.broadcast %broadcast_in_dim3A : vector<64x1xi1> to vector<64x128xi1>
    %broadcast_in_dim3A_31 = vector.broadcast %jit3A : f32 to vector<64x128xf32>
    %select_n3A = arith.select %broadcast_in_dim3A_30, %slice3A, %broadcast_in_dim3A_31 : vector<64x128xi1>, vector<64x128xf32>
    %reduce_max3A = arith.constant dense<0xFF800000> : vector<128xf32>
    %reduce_max3A_32 = vector.multi_reduction <maximumf>, %select_n3A, %reduce_max3A [0] : vector<64x128xf32> to vector<128xf32>
    %broadcast_in_dim3A_33 = vector.shape_cast %reduce_max3A_32 : vector<128xf32> to vector<1x128xf32>
    %swap3A = arith.constant 0 : index
    %swap3A_34 = arith.constant 0 : index
    %swap3A_35 = vector.load %arg7[%swap3A, %swap3A_34] : memref<8x128xf32, #tpu.memory_space<vmem>>, vector<1x128xf32>
    tpu.vector_store %arg7[%swap3A, %swap3A_34], %broadcast_in_dim3A_33 {strides = array<i32>} : memref<8x128xf32, #tpu.memory_space<vmem>>, vector<1x128xf32>,
    %mul3A_36 = arith.constant 8 : i32
    %mul3A_37 = arith.muli %arg0, %mul3A_36 : i32
    %add3A_38 = arith.constant 1 : i32
    %add3A_39 = arith.addi %mul3A_37, %add3A_38 : i32
    %get3A_40 = arith.index_cast %add3A_39 : i32 to index
    %get3A_41 = memref.load %arg1[%get3A_40] : memref<4096xi32, #tpu.memory_space<smem>>
    %slice3A_42 = vector.extract_strided_slice %add3A_23 {offsets = [64, 0], sizes = [64, 128], strides = [1, 1]} : vector<512x128xf32> to vector<64x128xf32>
    %lt3A_43 = vector.broadcast %get3A_41 : i32 to vector<64x1xi32>
    %lt3A_44 = arith.cmpi slt, %iota3A, %lt3A_43 : vector<64x1xi32>
    %jit3A_45 = arith.constant -1.000000e+30 : f32
    %broadcast_in_dim3A_46 = vector.shape_cast %lt3A_44 : vector<64x1xi1> to vector<64x1xi1>
    %broadcast_in_dim3A_47 = vector.broadcast %broadcast_in_dim3A_46 : vector<64x1xi1> to vector<64x128xi1>
    %broadcast_in_dim3A_48 = vector.broadcast %jit3A_45 : f32 to vector<64x128xf32>
    %select_n3A_49 = arith.select %broadcast_in_dim3A_47, %slice3A_42, %broadcast_in_dim3A_48 : vector<64x128xi1>, vector<64x128xf32>
    %reduce_max3A_50 = arith.constant dense<0xFF800000> : vector<128xf32>
    %reduce_max3A_51 = vector.multi_reduction <maximumf>, %select_n3A_49, %reduce_max3A_50 [0] : vector<64x128xf32> to vector<128xf32>
    %broadcast_in_dim3A_52 = vector.shape_cast %reduce_max3A_51 : vector<128xf32> to vector<1x128xf32>
    %swap3A_53 = arith.constant 1 : index
    %swap3A_54 = arith.constant 0 : index
    %swap3A_55 = vector.load %arg7[%swap3A_53, %swap3A_54] : memref<8x128xf32, #tpu.memory_space<vmem>>, vector<1x128xf32>
    tpu.vector_store %arg7[%swap3A_53, %swap3A_54], %broadcast_in_dim3A_52 {strides = array<i32>} : memref<8x128xf32, #tpu.memory_space<vmem>>, vector<1x128xf32>,
    %mul3A_56 = arith.constant 8 : i32
    %mul3A_57 = arith.muli %arg0, %mul3A_56 : i32
    %add3A_58 = arith.constant 2 : i32
    %add3A_59 = arith.addi %mul3A_57, %add3A_58 : i32
    %get3A_60 = arith.index_cast %add3A_59 : i32 to index
    %get3A_61 = memref.load %arg1[%get3A_60] : memref<4096xi32, #tpu.memory_space<smem>>
    %slice3A_62 = vector.extract_strided_slice %add3A_23 {offsets = [128, 0], sizes = [64, 128], strides = [1, 1]} : vector<512x128xf32> to vector<64x128xf32>
    %lt3A_63 = vector.broadcast %get3A_61 : i32 to vector<64x1xi32>
    %lt3A_64 = arith.cmpi slt, %iota3A, %lt3A_63 : vector<64x1xi32>
    %jit3A_65 = arith.constant -1.000000e+30 : f32
    %broadcast_in_dim3A_66 = vector.shape_cast %lt3A_64 : vector<64x1xi1> to vector<64x1xi1>
    %broadcast_in_dim3A_67 = vector.broadcast %broadcast_in_dim3A_66 : vector<64x1xi1> to vector<64x128xi1>
    %broadcast_in_dim3A_68 = vector.broadcast %jit3A_65 : f32 to vector<64x128xf32>
    %select_n3A_69 = arith.select %broadcast_in_dim3A_67, %slice3A_62, %broadcast_in_dim3A_68 : vector<64x128xi1>, vector<64x128xf32>
    %reduce_max3A_70 = arith.constant dense<0xFF800000> : vector<128xf32>
    %reduce_max3A_71 = vector.multi_reduction <maximumf>, %select_n3A_69, %reduce_max3A_70 [0] : vector<64x128xf32> to vector<128xf32>
    %broadcast_in_dim3A_72 = vector.shape_cast %reduce_max3A_71 : vector<128xf32> to vector<1x128xf32>
    %swap3A_73 = arith.constant 2 : index
    %swap3A_74 = arith.constant 0 : index
    %swap3A_75 = vector.load %arg7[%swap3A_73, %swap3A_74] : memref<8x128xf32, #tpu.memory_space<vmem>>, vector<1x128xf32>
    tpu.vector_store %arg7[%swap3A_73, %swap3A_74], %broadcast_in_dim3A_72 {strides = array<i32>} : memref<8x128xf32, #tpu.memory_space<vmem>>, vector<1x128xf32>,
    %mul3A_76 = arith.constant 8 : i32
    %mul3A_77 = arith.muli %arg0, %mul3A_76 : i32
    %add3A_78 = arith.constant 3 : i32
    %add3A_79 = arith.addi %mul3A_77, %add3A_78 : i32
    %get3A_80 = arith.index_cast %add3A_79 : i32 to index
    %get3A_81 = memref.load %arg1[%get3A_80] : memref<4096xi32, #tpu.memory_space<smem>>
    %slice3A_82 = vector.extract_strided_slice %add3A_23 {offsets = [192, 0], sizes = [64, 128], strides = [1, 1]} : vector<512x128xf32> to vector<64x128xf32>
    %lt3A_83 = vector.broadcast %get3A_81 : i32 to vector<64x1xi32>
    %lt3A_84 = arith.cmpi slt, %iota3A, %lt3A_83 : vector<64x1xi32>
    %jit3A_85 = arith.constant -1.000000e+30 : f32
    %broadcast_in_dim3A_86 = vector.shape_cast %lt3A_84 : vector<64x1xi1> to vector<64x1xi1>
    %broadcast_in_dim3A_87 = vector.broadcast %broadcast_in_dim3A_86 : vector<64x1xi1> to vector<64x128xi1>
    %broadcast_in_dim3A_88 = vector.broadcast %jit3A_85 : f32 to vector<64x128xf32>
    %select_n3A_89 = arith.select %broadcast_in_dim3A_87, %slice3A_82, %broadcast_in_dim3A_88 : vector<64x128xi1>, vector<64x128xf32>
    %reduce_max3A_90 = arith.constant dense<0xFF800000> : vector<128xf32>
    %reduce_max3A_91 = vector.multi_reduction <maximumf>, %select_n3A_89, %reduce_max3A_90 [0] : vector<64x128xf32> to vector<128xf32>
    %broadcast_in_dim3A_92 = vector.shape_cast %reduce_max3A_91 : vector<128xf32> to vector<1x128xf32>
    %swap3A_93 = arith.constant 3 : index
    %swap3A_94 = arith.constant 0 : index
    %swap3A_95 = vector.load %arg7[%swap3A_93, %swap3A_94] : memref<8x128xf32, #tpu.memory_space<vmem>>, vector<1x128xf32>
    tpu.vector_store %arg7[%swap3A_93, %swap3A_94], %broadcast_in_dim3A_92 {strides = array<i32>} : memref<8x128xf32, #tpu.memory_space<vmem>>, vector<1x128xf32>,
    %mul3A_96 = arith.constant 8 : i32
    %mul3A_97 = arith.muli %arg0, %mul3A_96 : i32
    %add3A_98 = arith.constant 4 : i32
    %add3A_99 = arith.addi %mul3A_97, %add3A_98 : i32
    %get3A_100 = arith.index_cast %add3A_99 : i32 to index
    %get3A_101 = memref.load %arg1[%get3A_100] : memref<4096xi32, #tpu.memory_space<smem>>
    %slice3A_102 = vector.extract_strided_slice %add3A_23 {offsets = [256, 0], sizes = [64, 128], strides = [1, 1]} : vector<512x128xf32> to vector<64x128xf32>
    %lt3A_103 = vector.broadcast %get3A_101 : i32 to vector<64x1xi32>
    %lt3A_104 = arith.cmpi slt, %iota3A, %lt3A_103 : vector<64x1xi32>
    %jit3A_105 = arith.constant -1.000000e+30 : f32
    %broadcast_in_dim3A_106 = vector.shape_cast %lt3A_104 : vector<64x1xi1> to vector<64x1xi1>
    %broadcast_in_dim3A_107 = vector.broadcast %broadcast_in_dim3A_106 : vector<64x1xi1> to vector<64x128xi1>
    %broadcast_in_dim3A_108 = vector.broadcast %jit3A_105 : f32 to vector<64x128xf32>
    %select_n3A_109 = arith.select %broadcast_in_dim3A_107, %slice3A_102, %broadcast_in_dim3A_108 : vector<64x128xi1>, vector<64x128xf32>
    %reduce_max3A_110 = arith.constant dense<0xFF800000> : vector<128xf32>
    %reduce_max3A_111 = vector.multi_reduction <maximumf>, %select_n3A_109, %reduce_max3A_110 [0] : vector<64x128xf32> to vector<128xf32>
    %broadcast_in_dim3A_112 = vector.shape_cast %reduce_max3A_111 : vector<128xf32> to vector<1x128xf32>
    %swap3A_113 = arith.constant 4 : index
    %swap3A_114 = arith.constant 0 : index
    %swap3A_115 = vector.load %arg7[%swap3A_113, %swap3A_114] : memref<8x128xf32, #tpu.memory_space<vmem>>, vector<1x128xf32>
    tpu.vector_store %arg7[%swap3A_113, %swap3A_114], %broadcast_in_dim3A_112 {strides = array<i32>} : memref<8x128xf32, #tpu.memory_space<vmem>>, vector<1x128xf32>,
    %mul3A_116 = arith.constant 8 : i32
    %mul3A_117 = arith.muli %arg0, %mul3A_116 : i32
    %add3A_118 = arith.constant 5 : i32
    %add3A_119 = arith.addi %mul3A_117, %add3A_118 : i32
    %get3A_120 = arith.index_cast %add3A_119 : i32 to index
    %get3A_121 = memref.load %arg1[%get3A_120] : memref<4096xi32, #tpu.memory_space<smem>>
    %slice3A_122 = vector.extract_strided_slice %add3A_23 {offsets = [320, 0], sizes = [64, 128], strides = [1, 1]} : vector<512x128xf32> to vector<64x128xf32>
    %lt3A_123 = vector.broadcast %get3A_121 : i32 to vector<64x1xi32>
    %lt3A_124 = arith.cmpi slt, %iota3A, %lt3A_123 : vector<64x1xi32>
    %jit3A_125 = arith.constant -1.000000e+30 : f32
    %broadcast_in_dim3A_126 = vector.shape_cast %lt3A_124 : vector<64x1xi1> to vector<64x1xi1>
    %broadcast_in_dim3A_127 = vector.broadcast %broadcast_in_dim3A_126 : vector<64x1xi1> to vector<64x128xi1>
    %broadcast_in_dim3A_128 = vector.broadcast %jit3A_125 : f32 to vector<64x128xf32>
    %select_n3A_129 = arith.select %broadcast_in_dim3A_127, %slice3A_122, %broadcast_in_dim3A_128 : vector<64x128xi1>, vector<64x128xf32>
    %reduce_max3A_130 = arith.constant dense<0xFF800000> : vector<128xf32>
    %reduce_max3A_131 = vector.multi_reduction <maximumf>, %select_n3A_129, %reduce_max3A_130 [0] : vector<64x128xf32> to vector<128xf32>
    %broadcast_in_dim3A_132 = vector.shape_cast %reduce_max3A_131 : vector<128xf32> to vector<1x128xf32>
    %swap3A_133 = arith.constant 5 : index
    %swap3A_134 = arith.constant 0 : index
    %swap3A_135 = vector.load %arg7[%swap3A_133, %swap3A_134] : memref<8x128xf32, #tpu.memory_space<vmem>>, vector<1x128xf32>
    tpu.vector_store %arg7[%swap3A_133, %swap3A_134], %broadcast_in_dim3A_132 {strides = array<i32>} : memref<8x128xf32, #tpu.memory_space<vmem>>, vector<1x128xf32>,
    %mul3A_136 = arith.constant 8 : i32
    %mul3A_137 = arith.muli %arg0, %mul3A_136 : i32
    %add3A_138 = arith.constant 6 : i32
    %add3A_139 = arith.addi %mul3A_137, %add3A_138 : i32
    %get3A_140 = arith.index_cast %add3A_139 : i32 to index
    %get3A_141 = memref.load %arg1[%get3A_140] : memref<4096xi32, #tpu.memory_space<smem>>
    %slice3A_142 = vector.extract_strided_slice %add3A_23 {offsets = [384, 0], sizes = [64, 128], strides = [1, 1]} : vector<512x128xf32> to vector<64x128xf32>
    %lt3A_143 = vector.broadcast %get3A_141 : i32 to vector<64x1xi32>
    %lt3A_144 = arith.cmpi slt, %iota3A, %lt3A_143 : vector<64x1xi32>
    %jit3A_145 = arith.constant -1.000000e+30 : f32
    %broadcast_in_dim3A_146 = vector.shape_cast %lt3A_144 : vector<64x1xi1> to vector<64x1xi1>
    %broadcast_in_dim3A_147 = vector.broadcast %broadcast_in_dim3A_146 : vector<64x1xi1> to vector<64x128xi1>
    %broadcast_in_dim3A_148 = vector.broadcast %jit3A_145 : f32 to vector<64x128xf32>
    %select_n3A_149 = arith.select %broadcast_in_dim3A_147, %slice3A_142, %broadcast_in_dim3A_148 : vector<64x128xi1>, vector<64x128xf32>
    %reduce_max3A_150 = arith.constant dense<0xFF800000> : vector<128xf32>
    %reduce_max3A_151 = vector.multi_reduction <maximumf>, %select_n3A_149, %reduce_max3A_150 [0] : vector<64x128xf32> to vector<128xf32>
    %broadcast_in_dim3A_152 = vector.shape_cast %reduce_max3A_151 : vector<128xf32> to vector<1x128xf32>
    %swap3A_153 = arith.constant 6 : index
    %swap3A_154 = arith.constant 0 : index
    %swap3A_155 = vector.load %arg7[%swap3A_153, %swap3A_154] : memref<8x128xf32, #tpu.memory_space<vmem>>, vector<1x128xf32>
    tpu.vector_store %arg7[%swap3A_153, %swap3A_154], %broadcast_in_dim3A_152 {strides = array<i32>} : memref<8x128xf32, #tpu.memory_space<vmem>>, vector<1x128xf32>,
    %mul3A_156 = arith.constant 8 : i32
    %mul3A_157 = arith.muli %arg0, %mul3A_156 : i32
    %add3A_158 = arith.constant 7 : i32
    %add3A_159 = arith.addi %mul3A_157, %add3A_158 : i32
    %get3A_160 = arith.index_cast %add3A_159 : i32 to index
    %get3A_161 = memref.load %arg1[%get3A_160] : memref<4096xi32, #tpu.memory_space<smem>>
    %slice3A_162 = vector.extract_strided_slice %add3A_23 {offsets = [448, 0], sizes = [64, 128], strides = [1, 1]} : vector<512x128xf32> to vector<64x128xf32>
    %lt3A_163 = vector.broadcast %get3A_161 : i32 to vector<64x1xi32>
    %lt3A_164 = arith.cmpi slt, %iota3A, %lt3A_163 : vector<64x1xi32>
    %jit3A_165 = arith.constant -1.000000e+30 : f32
    %broadcast_in_dim3A_166 = vector.shape_cast %lt3A_164 : vector<64x1xi1> to vector<64x1xi1>
    %broadcast_in_dim3A_167 = vector.broadcast %broadcast_in_dim3A_166 : vector<64x1xi1> to vector<64x128xi1>
    %broadcast_in_dim3A_168 = vector.broadcast %jit3A_165 : f32 to vector<64x128xf32>
    %select_n3A_169 = arith.select %broadcast_in_dim3A_167, %slice3A_162, %broadcast_in_dim3A_168 : vector<64x128xi1>, vector<64x128xf32>
    %reduce_max3A_170 = arith.constant dense<0xFF800000> : vector<128xf32>
    %reduce_max3A_171 = vector.multi_reduction <maximumf>, %select_n3A_169, %reduce_max3A_170 [0] : vector<64x128xf32> to vector<128xf32>
    %broadcast_in_dim3A_172 = vector.shape_cast %reduce_max3A_171 : vector<128xf32> to vector<1x128xf32>
    %swap3A_173 = arith.constant 7 : index
    %swap3A_174 = arith.constant 0 : index
    %swap3A_175 = vector.load %arg7[%swap3A_173, %swap3A_174] : memref<8x128xf32, #tpu.memory_space<vmem>>, vector<1x128xf32>
    tpu.vector_store %arg7[%swap3A_173, %swap3A_174], %broadcast_in_dim3A_172 {strides = array<i32>} : memref<8x128xf32, #tpu.memory_space<vmem>>, vector<1x128xf32>,
    return
  }
  func.func @transform_0(%arg0: i32, %arg1: memref<4096xi32, #tpu.memory_space<smem>>) -> (i32, i32) {
    %c0_i32 = arith.constant 0 : i32
    %c0_i32_0 = arith.constant 0 : i32
    return %arg0, %c0_i32 : i32, i32
  }
  func.func @transform_1(%arg0: i32, %arg1: memref<4096xi32, #tpu.memory_space<smem>>) -> (i32, i32) {
    %c0_i32 = arith.constant 0 : i32
    %c0_i32_0 = arith.constant 0 : i32
    return %arg0, %c0_i32 : i32, i32
  }
  func.func @transform_2(%arg0: i32, %arg1: memref<4096xi32, #tpu.memory_space<smem>>) -> (i32, i32) {
    %c0_i32 = arith.constant 0 : i32
    %c0_i32_0 = arith.constant 0 : i32
    %c0_i32_1 = arith.constant 0 : i32
    return %c0_i32, %c0_i32_0 : i32, i32
  }
  func.func @transform_3(%arg0: i32, %arg1: memref<4096xi32, #tpu.memory_space<smem>>) -> (i32, i32) {
    %c0_i32 = arith.constant 0 : i32
    %c0_i32_0 = arith.constant 0 : i32
    %c0_i32_1 = arith.constant 0 : i32
    return %c0_i32, %c0_i32_0 : i32, i32
  }
  func.func @transform_4(%arg0: i32, %arg1: memref<4096xi32, #tpu.memory_space<smem>>) -> (i32, i32) {
    %c0_i32 = arith.constant 0 : i32
    %c0_i32_0 = arith.constant 0 : i32
    %c0_i32_1 = arith.constant 0 : i32
    return %c0_i32, %c0_i32_0 : i32, i32
  }
  func.func @transform_5(%arg0: i32, %arg1: memref<4096xi32, #tpu.memory_space<smem>>) -> (i32, i32) {
    %c0_i32 = arith.constant 0 : i32
    %c0_i32_0 = arith.constant 0 : i32
    return %arg0, %c0_i32 : i32, i32
  }
}

</mosaic_0001>

<sc_bundles>
// kernel: kernel.7.cloned.1.call-start
scs
__scs_entry_jumppad:
0x0: {  	(pc) =	sbr.rel $0x88, $3  }
0x1: {  	(tag) =	ssettag $0x0;
	lr =	simm.s32 $0x1  }
0x2: {  	[smem:$0x3F99] =	sst lr;
	_ =	strace $0xD0000000  }
0x3: {  	_ = 	snop  }
0x4: {  	_ = 	snop  }
0x5: {  	_ = 	snop  }
0x6: {  	_ = 	snop  }
0x7: {  	_ = 	snop  }
__scs_overlays_trampoline_lowered:
0x8: {  	[smem:$0x3FA8] =	sst s0  }
0x9: {  	[smem:$0x3FA9] =	sst s1  }
0xa: {  	[smem:$0x3FAA] =	sst s2  }
0xb: {  	[smem:$0x3FAB] =	sst s3  }
0xc: {  	[smem:$0x3FAC] =	sst s4  }
0xd: {  	[smem:$0x3FAD] =	sst s5  }
0xe: {  	[smem:$0x3FAE] =	sst s6  }
0xf: {  	[smem:$0x3FAF] =	sst s7  }
0x10: {  	[smem:$0x3FB0] =	sst s8  }
0x11: {  	[smem:$0x3FB1] =	sst s9;
	s0 =	simm.s32 @!p0 $0x0  }
0x12: {  	s1 =	sld [smem:$0x3F97];
	s0 =	simm.s32 @p0 $0x1  }
0x13: {  	[smem:$0x3FB2] =	sst s0;
	s0 =	simm.s32 @!p1 $0x0  }
0x14: {  	s2 =	sld [smem:$0x3F96];
	s0 =	simm.s32 @p1 $0x1  }
0x15: {  	[smem:$0x3FB3] =	sst s0;
	s0 =	simm.s32 @!p2 $0x0  }
0x16: {  	s3 =	sld [smem:$0x3FDB];
	s0 =	simm.s32 @p2 $0x1  }
0x17: {  	s4 =	simm.s32 $0x1BF5;
	[smem:$0x3FB5] =	sst s0  }
0x18: {  	s0 =	sld [smem:$0x3F98];
	_ =	swait.ge [sflag:s4], $0x0  }
0x19: {  	s7 =	sld [smem:$0x3F99]  }
0x1a: {  	s8 =	sadd.s32 $0xFFFFE003, lr  }
0x1b: {  	s9 =	sadd.s32 $0xFFFFFEF7, lr;
	s5 =	simm.s32 $0xFFFFFFFF;
	p2 =	slt.u32 s8, $0xFFFFF086  }
0x1c: {  	p1 =	slt.u32 s9, $0xF7A;
	s5 =	simm.s32 @!p2 $0x0  }
0x1d: {  	s5 =	simm.s32 @p1 $0x1;
	p0 =	seq.s32 s7, s2  }
0x1e: {  	s7 =	smul.u32 @!p0 $0xF7A, s2;
	p2 =	seq.s32 @!p0 s5, $0x0  }
0x1f: {  	s9 =	smul.u32 $0xF7A, s1;
	s8 =	simm.s32 @!p0 $0x1BF5;
	p2 =	por !p2, p0  }
0x20: {  	[sflag:s8] =	ssyncset.s32 @!p0 $0xFFFFF086;
	s6 =	sadd.s32 @!p0 s3, s7;
	s7 =	simm.s32 @!p0 $0x108  }
0x21: {  	s3 =	sadd.s32 s3, s9;
	s6 =	sadd.s32 @!p0 $0x88, s6;
	s7 =	simm.s32 @p2 $0x1082  }
0x22: {  	[simem:s7], [sflag:s8] =	dma.local @!p0 [hbm:s6], $0xF7A  }
0x23: {  	s9 =	sor.u32 $0xD0000000, s2;
	s6 =	simm.s32 $0x108;
	_ =	swait.ge @!p0 [sflag:s8], $0x0  }
0x24: {  	s3 =	sadd.s32 $0x88, s3;
	s6 =	simm.s32 @!p1 $0x1082;
	[sflag:s4] =	ssyncset.s32 $0xFFFFF086  }
0x25: {  	[simem:s6], [sflag:s4] =	dma.local [hbm:s3], $0xF7A  }
0x26: {  	[smem:$0x3F99] =	sst s1;
	(tag) =	ssettag s2;
	_ =	strace s9  }
0x27: {  	s1 =	sld [smem:$0x3FA9]  }
0x28: {  	s2 =	sld [smem:$0x3FAA]  }
0x29: {  	s4 =	sld [smem:$0x3FAC]  }
0x2a: {  	p0 =	seq.s32 s5, $0x0;
	s5 =	sld [smem:$0x3FAD]  }
0x2b: {  	s6 =	sld [smem:$0x3FAE]  }
0x2c: {  	s7 =	sld [smem:$0x3FAF]  }
0x2d: {  	s3 =	simm.s32 $0x108;
	s8 =	sld [smem:$0x3FB0]  }
0x2e: {  	s3 =	simm.s32 @!p0 $0x1082;
	s9 =	sld [smem:$0x3FB1]  }
0x2f: {  	lr =	sadd.s32 s0, s3;
	s0 =	sld [smem:$0x3FA8]  }
0x30: {  	s3 =	sld [smem:$0x3FAB]  }
0x31: {  	[smem:$0x3FB4] =	sst s10  }
0x32: {  	s10 =	sld [smem:$0x3FB2];
	_ =	sdelay $0x3  }
0x33: {  	p0 =	seq.s32 s10, $0x1;
	s10 =	sld [smem:$0x3FB4];
	_ =	sdelay $0x3  }
0x34: {  	[smem:$0x3FB4] =	sst s10  }
0x35: {  	s10 =	sld [smem:$0x3FB3];
	_ =	sdelay $0x3  }
0x36: {  	p1 =	seq.s32 s10, $0x1;
	s10 =	sld [smem:$0x3FB4];
	_ =	sdelay $0x3  }
0x37: {  	[smem:$0x3FB4] =	sst s10  }
0x38: {  	s10 =	sld [smem:$0x3FB5]  }
0x39: {  	_ = 	snop;
	(pc) =	sbr.ind lr, $3  }
0x3a: {  	_ = 	snop  }
0x3b: {  	_ = 	snop  }
0x3c: {  	p2 =	seq.s32 s10, $0x1;
	s10 =	sld [smem:$0x3FB4]  }
0x3d: {  	_ =	shalt  }
0x3e: {  	_ =	shalt  }
0x3f: {  	_ =	shalt  }
0x40: {  	_ =	shalt  }
0x41: {  	_ =	shalt  }
0x42: {  	_ =	shalt  }
0x43: {  	_ =	shalt  }
0x44: {  	_ =	shalt  }
0x45: {  	_ =	shalt  }
0x46: {  	_ =	shalt  }
0x47: {  	_ =	shalt  }
0x48: {  	_ =	shalt  }
0x49: {  	_ =	shalt  }
0x4a: {  	_ =	shalt  }
0x4b: {  	_ =	shalt  }
0x4c: {  	_ =	shalt  }
0x4d: {  	_ =	shalt  }
0x4e: {  	_ =	shalt  }
0x4f: {  	_ =	shalt  }
0x50: {  	_ =	shalt  }
0x51: {  	_ =	shalt  }
0x52: {  	_ =	shalt  }
0x53: {  	_ =	shalt  }
0x54: {  	_ =	shalt  }
0x55: {  	_ =	shalt  }
0x56: {  	_ =	shalt  }
0x57: {  	_ =	shalt  }
0x58: {  	_ =	shalt  }
0x59: {  	_ =	shalt  }
0x5a: {  	_ =	shalt  }
0x5b: {  	_ =	shalt  }
0x5c: {  	_ =	shalt  }
0x5d: {  	_ =	shalt  }
0x5e: {  	_ =	shalt  }
0x5f: {  	_ =	shalt  }
0x60: {  	_ =	shalt  }
0x61: {  	_ =	shalt  }
0x62: {  	_ =	shalt  }
0x63: {  	_ =	shalt  }
0x64: {  	_ =	shalt  }
0x65: {  	_ =	shalt  }
0x66: {  	_ =	shalt  }
0x67: {  	_ =	shalt  }
0x68: {  	_ =	shalt  }
0x69: {  	_ =	shalt  }
0x6a: {  	_ =	shalt  }
0x6b: {  	_ =	shalt  }
0x6c: {  	_ =	shalt  }
0x6d: {  	_ =	shalt  }
0x6e: {  	_ =	shalt  }
0x6f: {  	_ =	shalt  }
0x70: {  	_ =	shalt  }
0x71: {  	_ =	shalt  }
0x72: {  	_ =	shalt  }
0x73: {  	_ =	shalt  }
0x74: {  	_ =	shalt  }
0x75: {  	_ =	shalt  }
0x76: {  	_ =	shalt  }
0x77: {  	_ =	shalt  }
0x78: {  	_ =	shalt  }
0x79: {  	_ =	shalt  }
0x7a: {  	_ =	shalt  }
0x7b: {  	_ =	shalt  }
0x7c: {  	_ =	shalt  }
0x7d: {  	_ =	shalt  }
0x7e: {  	_ =	shalt  }
0x7f: {  	_ =	shalt  }
0x80: {  	_ =	shalt  }
0x81: {  	_ =	shalt  }
0x82: {  	_ =	shalt  }
0x83: {  	_ =	shalt  }
0x84: {  	_ =	shalt  }
0x85: {  	_ =	shalt  }
0x86: {  	_ =	shalt  }
0x87: {  	_ =	shalt  }
.Lfunc_end0:
.L_simem_size_0:
called_computation.1_lowered:
.L_overlay_start_0:
0x88: {  	s2 =	sld [smem:$0x3FD9]  }
0x89: {  	s3 =	sld [smem:$0x3FFE];
	_ =	sdelay $0x1  }
0x8a: {  	s1 =	srdreg.scid  }
0x8b: {  	s0 =	sand.u32 $0x1, s1  }
0x8c: {  	s14 =	sshll.u32 s0, $0xA;
	s2 =	sadd.s32 s3, s2  }
0x8d: {  	s2 =	sadd.s32 s2, s14  }
0x8e: {  	[smem:$0x3FC0] =	sst s2  }
0x8f: {  	_ = 	snop  }
0x90: {  	s2 =	sld [smem:$0x3FD0];
	_ =	sdelay $0x1  }
0x91: {  	s15 =	sld [smem:$0x3FC7]  }
0x92: {  	s5 =	simm.s32 $0xA;
	s6 =	simm.s32 $0x10;
	s4 =	sld [smem:$0x3FC6]  }
0x93: {  	[smem:s6], [sflag:s5] =	dma.local [hbm:s2], $0x1  }
0x94: {  	_ =	swait.eq [sflag:s5], $0x1  }
0x95: {  	s16 =	sld [smem:$0x10];
	[sflag:s5] =	ssyncset.done $0x0  }
0x96: {  	s17 =	sld [smem:$0x12];
	[sflag:s5] =	ssyncadd.s32 $0xFFFFFFFF  }
0x97: {  	s18 =	sld [smem:$0x13];
	(tm) =	ssettm $0x1  }
0x98: {  	s7 =	sld [smem:$0x3FFB];
	_ =	sdelay $0x3  }
0x99: {  	_ =	strace s7  }
0x9a: {  	s7 =	sld [smem:$0x3FFC];
	_ =	sdelay $0x3  }
0x9b: {  	_ =	strace s7  }
0x9c: {  	s7 =	sld [smem:$0x3FFD];
	_ =	sdelay $0x3  }
0x9d: {  	_ =	strace s7  }
0x9e: {  	_ =	strace $0x8FFFFFFF  }
0x9f: {  	s19 =	sld [smem:$0x3FDB];
	_ =	sdelay $0x1  }
0xa0: {  	s8 =	simm.s32 $_scs_section_size  }
0xa1: {  	s9 =	simm.s32 $_size__tile_overlayer_lowered;
	s10 =	simm.s32 $_tile_overlayer_lowered  }
0xa2: {  	s22 =	simm.s32 $0x1BFF;
	s21 =	sshll.u32 s10, $0x1;
	s7 =	sadd.s32 s8, s19  }
0xa3: {  	s11 =	simm.s32 $0x0;
	s20 =	sshll.u32 s9, $0x1;
	s9 =	sadd.s32 s21, s7  }
0xa4: {  	[timem:s11], [sflag:s22] =	dma.local [hbm:s9], s20  }
0xa5: {  	_ =	swait.ge [sflag:s22], s20  }
0xa6: {  	s8 =	ssub.s32 $0x0, s20;
	[sflag:s22] =	ssyncset.done $0x0  }
0xa7: {  	[sflag:s22] =	ssyncadd.s32 s8;
	_ =	sdelay $0x1  }
0xa8: {  	s23 =	simm.s32 $0x1B8B  }
0xa9: {  	_ =	swait.ge [sflag:s23], $0x1  }
0xaa: {  	[sflag:s23] =	ssyncset.done $0x0  }
0xab: {  	s25 =	simm.s32 $0x1B8E;
	s24 =	sld [smem:$0x3FFE];
	[sflag:s23] =	ssyncadd.s32 $0xFFFFFFFF  }
0xac: {  	s26 =	simm.s32 $execute0_lowered;
	[smem:$0x3FD2] =	sst s25  }
0xad: {  	s9 =	sshll.u32 s26, $0x1;
	_ =	strace $0x80000049;
	[dreg:$0x1] =	wrdreg $0xFFFFFFFF  }
0xae: {  	s28 =	simm.s32 $_size_execute0_lowered;
	s7 =	sadd.s32 s7, s9;
	[dreg:$0x0] =	wrdreg $0x0  }
0xaf: {  	s9 =	sshll.u32 s28, $0x1;
	[dreg:$0x2] =	wrdreg s7  }
0xb0: {  	[dreg:$0x3] =	wrdreg s9  }
0xb1: {  	[dreg:$0x4] =	wrdreg $0xC0  }
0xb2: {  	_ =	task [dreg:s11], $0x5FFFF  }
0xb3: {  	[dreg:$0x1] =	wrdreg $0xFFFFFFFF  }
0xb4: {  	[dreg:$0x0] =	wrdreg $0x60  }
0xb5: {  	[dreg:$0x2] =	wrdreg s24  }
0xb6: {  	[dreg:$0x3] =	wrdreg s16  }
0xb7: {  	[dreg:$0x4] =	wrdreg s4  }
0xb8: {  	[dreg:$0x5] =	wrdreg s15  }
0xb9: {  	[dreg:$0x6] =	wrdreg s18  }
0xba: {  	[dreg:$0x7] =	wrdreg s17  }
0xbb: {  	[dreg:$0x8] =	wrdreg $0x9  }
0xbc: {  	_ =	task.clear_ibuf [dreg:s11], $0x9FFFF;
	_ =	strace $0x90000049  }
0xbd: {  	s29 =	simm.s32 $0x9;
	_ =	strace $0x8000004B  }
0xbe: {  	_ =	swait.ge [sflag:s29], $0x1  }
0xbf: {  	[sflag:s29] =	ssyncadd.s32 $0xFFFFFFFF  }
0xc0: {  	_ =	strace $0x9000004B  }
0xc1: {  	_ =	sfence  }
0xc2: {  	s30 =	sld [smem:$0x0];
	_ =	sdelay $0x2  }
0xc3: {  	s31 =	sshll.u32 s1, $0xD;
	s1 =	sshrl.u32 s1, $0x2  }
0xc4: {  	s3 =	sand.u32 $0x4000, s31;
	s1 =	sadd.s32 s1, s30  }
0xc5: {  	s0 =	sor.u32 s3, s0;
	s1 =	sshll.u32 s1, $0x11  }
0xc6: {  	s0 =	sor.u32 s1, s0  }
0xc7: {  	s0 =	sadd.s32 $0x8F2B, s0  }
0xc8: {  	[sflag:s0] =	ssyncadd.remote.s32 $0x1  }
0xc9: {  	_ =	sfence.sel $0xFFFF  }
0xca: {  	[dreg:$0x0] =	wrdreg $0xFFFFFFFF;
	(pc) =	sbr.abs _section_cstart, $3  }
0xcb: {  	[dreg:$0x1] =	wrdreg $0xFFFFFFFF  }
0xcc: {  	_ =	task.clear_ibuf [dreg:s11], $0x2FFFF;
	_ =	strace $0x9FFFFFFF  }
0xcd: {  	(tm) =	ssettm $0x7FFFFFFF  }
tec
execute0_lowered:
.L_overlay_start_1:
0x0: {  	(tag) =	ssettag $0x1  }
0x1: {  	s0 =	rddreg [dreg:$0x0]  }
0x2: {  	s1 =	rddreg [dreg:$0x1]  }
0x3: {  	s2 =	rddreg [dreg:$0x2]  }
0x4: {  	s3 =	rddreg [dreg:$0x3]  }
0x5: {  	s4 =	rddreg [dreg:$0x4]  }
0x6: {  	s5 =	rddreg [dreg:$0x5]  }
0x7: {  	s13 =	simm.s32 $0x0;
	s9 =	stileid.u32;
	s17 =	srdreg.scid  }
0x8: {  	[smem:$0x7FF] =	sst s13;
	s6 =	sadd.s32 $0x204C00, s0;
	s16 =	sshll.u32 s9, $0xA  }
0x9: {  	s7 =	sadd.s32 $0x405200, s0;
	_ =	strace $0x8000004A;
	[dreg:$0x7] =	wrdreg s6  }
0xa: {  	s9 =	sshll.u32 s9, $0x1;
	s11 =	sadd.s32 $0x445200, s0;
	[dreg:$0x8] =	wrdreg s7  }
0xb: {  	s14 =	sadd.s32 $0x4C00, s0;
	s7 =	sand.u32 $0x1, s17;
	[dreg:$0x9] =	wrdreg s11  }
0xc: {  	s6 =	sand.u32 $0x3000, s16;
	[dreg:$0xa] =	wrdreg s14;
	s9 =	sor.u32 s7, s9  }
0xd: {  	s8 =	sshrl.u32 s6, $0x3;
	s18 =	sshll.u32 s9, $0x4;
	s9 =	sshll.u32 s9, $0x7  }
0xe: {  	s1 =	sadd.s32 s1, s8;
	[dreg:$0xb] =	wrdreg s9  }
0xf: {  	s21 =	sadd.s32 s2, s8;
	[dreg:$0xc] =	wrdreg s1  }
0x10: {  	s10 =	sadd.s32 s8, s0;
	s23 =	sadd.s32 s3, s8;
	[dreg:$0xf] =	wrdreg s21  }
0x11: {  	s19 =	sadd.s32 $0x4200, s10;
	[dreg:$0x11] =	wrdreg s23  }
0x12: {  	s20 =	sadd.s32 $0x3A00, s10;
	[dreg:$0xd] =	wrdreg s19  }
0x13: {  	s28 =	simm.s32 $0xA500;
	s29 =	sadd.s32 s4, s18;
	[dreg:$0xe] =	wrdreg s20  }
0x14: {  	s0 =	sadd.s32 s18, s0;
	s30 =	sadd.s32 s5, s18;
	[dreg:$0x15] =	wrdreg s29  }
0x15: {  	s7 =	ssub.s32 $0x2, s7;
	s22 =	sadd.s32 $0x405000, s0;
	[dreg:$0x16] =	wrdreg s30  }
0x16: {  	s12 =	sshrl.u32 s7, $0x1;
	s24 =	sadd.s32 $0x404E00, s0;
	[dreg:$0x10] =	wrdreg s22  }
0x17: {  	s7 =	ssub.s32 s7, s12;
	s25 =	sadd.s32 $0x404C00, s0;
	[dreg:$0x12] =	wrdreg s24  }
0x18: {  	s21 =	simm.s32 $0x5280;
	s26 =	sadd.s32 $0x4A00, s0;
	[dreg:$0x13] =	wrdreg s25  }
0x19: {  	v1 =	vimm.f32 $0.0e+00;
	s4 =	simm.s32 $0x2;
	s0 =	sadd.s32 $0x44C00, s0;
	[dreg:$0x14] =	wrdreg s26  }
0x1a: {  	v2 =	vimm.s32 $0x0;
	v3 =	vlaneseq.u32;
	v4 =	vimm.s32 $0x1;
	s23 =	simm.s32 $0x6280;
	s31 =	smax.u32 s7, $0x1;
	[dreg:$0x17] =	wrdreg s0  }
0x1b: {  	v5 =	vimm.f32 $+Inf;
	v6 =	vmul.u32 $0x8, v3;
	v0 =	vmov s6;
	s1 =	simm.s32 $0x0;
	[dreg:$0x18] =	wrdreg s31;
	s24 =	simm.s32 $0x7280  }
.LBB2_1:
0x1c: {  	[dreg:$0x19] =	wrdreg s1  }
0x1d: {  	s0 =	rddreg [dreg:$0xc]  }
0x1e: {  	[tilespmem:s21], [sflag:$0x2] =	stream.linear.gather [hbm4b:s0+s13], $0x1000, $0x38;
	[tilespmem:$0xC880] =	vst v63  }
0x1f: {  	_ =	swait.ge [sflag:s4], $0x1000  }
0x20: {  	[sflag:s4] =	ssyncset.done $0x0  }
0x21: {  	s10 =	rddreg [dreg:$0xd];
	[sflag:s4] =	ssyncadd.s32 $0xFFFFF000  }
0x22: {  	[tilespmem:s23], [sflag:$0x2] =	stream.linear.gather [hbm4b:s10+s13], $0x1000, $0x38;
	[tilespmem:$0xC880] =	vst v63  }
0x23: {  	_ =	swait.ge [sflag:s4], $0x1000  }
0x24: {  	[sflag:s4] =	ssyncset.done $0x0  }
0x25: {  	s11 =	rddreg [dreg:$0xe];
	[sflag:s4] =	ssyncadd.s32 $0xFFFFF000  }
0x26: {  	[tilespmem:s24], [sflag:$0x2] =	stream.linear.gather [hbm4b:s11+s13], $0x1000, $0x38;
	[tilespmem:$0xC880] =	vst v63  }
0x27: {  	_ =	swait.ge [sflag:s4], $0x1000  }
0x28: {  	[sflag:s4] =	ssyncset.done $0x0  }
0x29: {  	s14 =	simm.s32 $0xA880;
	s12 =	rddreg [dreg:$0xf];
	[sflag:s4] =	ssyncadd.s32 $0xFFFFF000  }
0x2a: {  	[tilespmem:s14], [sflag:$0x2] =	stream.linear.gather [hbm4b:s12+s13], $0x1000, $0x38;
	[tilespmem:$0xC880] =	vst v63  }
0x2b: {  	_ =	swait.ge [sflag:s4], $0x1000  }
0x2c: {  	[sflag:s4] =	ssyncset.done $0x0  }
0x2d: {  	s2 =	simm.s32 $0xB880;
	s15 =	rddreg [dreg:$0x11];
	[sflag:s4] =	ssyncadd.s32 $0xFFFFF000  }
0x2e: {  	[tilespmem:s2], [sflag:$0x2] =	stream.linear.gather [hbm4b:s15+s13], $0x1000, $0x38;
	[tilespmem:$0xC880] =	vst v63  }
0x2f: {  	_ =	swait.ge [sflag:s4], $0x1000  }
0x30: {  	[sflag:s4] =	ssyncset.done $0x0  }
0x31: {  	s3 =	simm.s32 $0x8280;
	s16 =	rddreg [dreg:$0x10];
	[sflag:s4] =	ssyncadd.s32 $0xFFFFF000  }
0x32: {  	[tilespmem:s3], [sflag:$0x2] =	stream.linear.gather [hbm4b:s16+s13], $0x80, $0x38;
	[tilespmem:$0xC880] =	vst v63  }
0x33: {  	_ =	swait.ge [sflag:s4], $0x80  }
0x34: {  	[sflag:s4] =	ssyncset.done $0x0  }
0x35: {  	s18 =	simm.s32 $0x8300;
	s17 =	rddreg [dreg:$0x12];
	[sflag:s4] =	ssyncadd.s32 $0xFFFFFF80  }
0x36: {  	[tilespmem:s18], [sflag:$0x2] =	stream.linear.gather [hbm4b:s17+s13], $0x80, $0x38;
	[tilespmem:$0xC880] =	vst v63  }
0x37: {  	_ =	swait.ge [sflag:s4], $0x80  }
0x38: {  	[sflag:s4] =	ssyncset.done $0x0  }
0x39: {  	s20 =	simm.s32 $0x8380;
	s19 =	rddreg [dreg:$0x13];
	[sflag:s4] =	ssyncadd.s32 $0xFFFFFF80  }
0x3a: {  	[tilespmem:s20], [sflag:$0x2] =	stream.linear.gather [hbm4b:s19+s13], $0x80, $0x38;
	[tilespmem:$0xC880] =	vst v63  }
0x3b: {  	_ =	swait.ge [sflag:s4], $0x80  }
0x3c: {  	[sflag:s4] =	ssyncset.done $0x0  }
0x3d: {  	s25 =	simm.s32 $0x8400;
	s22 =	rddreg [dreg:$0x14];
	[sflag:s4] =	ssyncadd.s32 $0xFFFFFF80  }
0x3e: {  	[tilespmem:s25], [sflag:$0x2] =	stream.linear.gather [hbm4b:s22+s13], $0x80, $0x38;
	[tilespmem:$0xC880] =	vst v63  }
0x3f: {  	_ =	swait.ge [sflag:s4], $0x80  }
0x40: {  	[sflag:s4] =	ssyncset.done $0x0  }
0x41: {  	[sflag:s4] =	ssyncadd.s32 $0xFFFFFF80  }
0x42: {  	v7 =	vld [tilespmem:$0x8400];
	_ =	sdelay $0x7  }
0x43: {  	v8 =	vld.idx.msk [tilespmem:v7+s14+$0x0], $0xffff;
	_ =	sdelay $0x3  }
0x44: {  	v9 =	vld [tilespmem:$0x8410]  }
0x45: {  	[tilespmem:$0xA780] =	vst v8  }
0x46: {  	v7 =	vld.idx.msk [tilespmem:v7+s2+$0x0], $0xffff;
	_ =	sdelay $0x4  }
0x47: {  	[tilespmem:$0xA800] =	vst v7  }
0x48: {  	v7 =	vld.idx.msk [tilespmem:v9+s14+$0x0], $0xffff;
	_ =	sdelay $0x3  }
0x49: {  	v8 =	vld [tilespmem:$0x8420]  }
0x4a: {  	[tilespmem:$0xA790] =	vst v7  }
0x4b: {  	v7 =	vld.idx.msk [tilespmem:v9+s2+$0x0], $0xffff;
	_ =	sdelay $0x4  }
0x4c: {  	[tilespmem:$0xA810] =	vst v7  }
0x4d: {  	v7 =	vld.idx.msk [tilespmem:v8+s14+$0x0], $0xffff;
	_ =	sdelay $0x3  }
0x4e: {  	v61 =	vld [tilespmem:$0x8430]  }
0x4f: {  	[tilespmem:$0xA7A0] =	vst v7  }
0x50: {  	v7 =	vld.idx.msk [tilespmem:v8+s2+$0x0], $0xffff;
	_ =	sdelay $0x4  }
0x51: {  	[tilespmem:$0xA820] =	vst v7  }
0x52: {  	v7 =	vld.idx.msk [tilespmem:v61+s14+$0x0], $0xffff;
	_ =	sdelay $0x3  }
0x53: {  	v8 =	vld [tilespmem:$0x8440]  }
0x54: {  	[tilespmem:$0xA7B0] =	vst v7  }
0x55: {  	v7 =	vld.idx.msk [tilespmem:v61+s2+$0x0], $0xffff;
	_ =	sdelay $0x4  }
0x56: {  	[tilespmem:$0xA830] =	vst v7  }
0x57: {  	v7 =	vld.idx.msk [tilespmem:v8+s14+$0x0], $0xffff;
	_ =	sdelay $0x3  }
0x58: {  	v62 =	vld [tilespmem:$0x8450]  }
0x59: {  	[tilespmem:$0xA7C0] =	vst v7  }
0x5a: {  	v7 =	vld.idx.msk [tilespmem:v8+s2+$0x0], $0xffff;
	_ =	sdelay $0x4  }
0x5b: {  	[tilespmem:$0xA840] =	vst v7  }
0x5c: {  	v7 =	vld.idx.msk [tilespmem:v62+s14+$0x0], $0xffff;
	_ =	sdelay $0x3  }
0x5d: {  	v8 =	vld [tilespmem:$0x8460]  }
0x5e: {  	[tilespmem:$0xA7D0] =	vst v7  }
0x5f: {  	v7 =	vld.idx.msk [tilespmem:v62+s2+$0x0], $0xffff;
	_ =	sdelay $0x4  }
0x60: {  	[tilespmem:$0xA850] =	vst v7  }
0x61: {  	v7 =	vld.idx.msk [tilespmem:v8+s14+$0x0], $0xffff;
	_ =	sdelay $0x3  }
0x62: {  	v63 =	vld [tilespmem:$0x8470]  }
0x63: {  	[tilespmem:$0xA7E0] =	vst v7  }
0x64: {  	v7 =	vld.idx.msk [tilespmem:v8+s2+$0x0], $0xffff;
	_ =	sdelay $0x4  }
0x65: {  	[tilespmem:$0xA860] =	vst v7  }
0x66: {  	v7 =	vld.idx.msk [tilespmem:v63+s14+$0x0], $0xffff;
	_ =	sdelay $0x4  }
0x67: {  	[tilespmem:$0xA7F0] =	vst v7  }
0x68: {  	v7 =	vld.idx.msk [tilespmem:v63+s2+$0x0], $0xffff;
	_ =	sdelay $0x4  }
0x69: {  	s29 =	simm.s32 $0xA780;
	s26 =	rddreg [dreg:$0x15];
	[tilespmem:$0xA870] =	vst v7  }
0x6a: {  	[hbm4b:s26+s13] =	stream.linear.scatter [tilespmem:s29], [sflag:$0x2], $0x80, $0x38;
	[tilespmem:$0xC880] =	vst v63  }
0x6b: {  	_ =	swait.ge [sflag:s4], $0x80  }
0x6c: {  	[sflag:s4] =	ssyncset.done $0x0  }
0x6d: {  	s31 =	simm.s32 $0xA800;
	s30 =	rddreg [dreg:$0x16];
	[sflag:s4] =	ssyncadd.s32 $0xFFFFFF80  }
0x6e: {  	[hbm4b:s30+s13] =	stream.linear.scatter [tilespmem:s31], [sflag:$0x2], $0x80, $0x38;
	[tilespmem:$0xC880] =	vst v63  }
0x6f: {  	_ =	swait.ge [sflag:s4], $0x80  }
0x70: {  	[sflag:s4] =	ssyncset.done $0x0  }
0x71: {  	[sflag:s4] =	ssyncadd.s32 $0xFFFFFF80  }
0x72: {  	[tilespmem:$0xA500] =	vst v1  }
0x73: {  	[tilespmem:$0xA510] =	vst v1  }
0x74: {  	[tilespmem:$0xA520] =	vst v1  }
0x75: {  	[tilespmem:$0xA530] =	vst v1  }
0x76: {  	[tilespmem:$0xA540] =	vst v1  }
0x77: {  	[tilespmem:$0xA550] =	vst v1  }
0x78: {  	[tilespmem:$0xA560] =	vst v1  }
0x79: {  	[tilespmem:$0xA570] =	vst v1  }
0x7a: {  	[tilespmem:$0xA580] =	vst v1  }
0x7b: {  	[tilespmem:$0xA590] =	vst v1  }
0x7c: {  	[tilespmem:$0xA5A0] =	vst v1  }
0x7d: {  	[tilespmem:$0xA5B0] =	vst v1  }
0x7e: {  	[tilespmem:$0xA5C0] =	vst v1  }
0x7f: {  	[tilespmem:$0xA5D0] =	vst v1  }
0x80: {  	[tilespmem:$0xA5E0] =	vst v1  }
0x81: {  	[tilespmem:$0xA5F0] =	vst v1  }
0x82: {  	[tilespmem:$0xA600] =	vst v1  }
0x83: {  	[tilespmem:$0xA610] =	vst v1  }
0x84: {  	[tilespmem:$0xA620] =	vst v1  }
0x85: {  	[tilespmem:$0xA630] =	vst v1  }
0x86: {  	[tilespmem:$0xA640] =	vst v1  }
0x87: {  	[tilespmem:$0xA650] =	vst v1  }
0x88: {  	[tilespmem:$0xA660] =	vst v1  }
0x89: {  	[tilespmem:$0xA670] =	vst v1  }
0x8a: {  	[tilespmem:$0xA680] =	vst v1  }
0x8b: {  	[tilespmem:$0xA690] =	vst v1  }
0x8c: {  	[tilespmem:$0xA6A0] =	vst v1  }
0x8d: {  	[tilespmem:$0xA6B0] =	vst v1  }
0x8e: {  	[tilespmem:$0xA6C0] =	vst v1  }
0x8f: {  	[tilespmem:$0xA6D0] =	vst v1  }
0x90: {  	[tilespmem:$0xA6E0] =	vst v1  }
0x91: {  	s1 =	simm.s32 $0x0;
	[tilespmem:$0xA6F0] =	vst v1  }
.LBB2_2:
0x92: {  	s9 =	sshll.u32 s1, $0x4;
	s0 =	rddreg [dreg:$0xb]  }
0x93: {  	[dreg:$0x1a] =	wrdreg s1;
	s0 =	sadd.s32 s9, s0  }
0x94: {  	s2 =	simm.s32 $0x0;
	v7 =	vimm.s32 $0x0;
	s12 =	simm.s32 $0x0;
	[dreg:$0x1b] =	wrdreg s0  }
.LBB2_3:
0x95: {  	s0 =	rddreg [dreg:$0x1b]  }
0x96: {  	s1 =	rddreg [dreg:$0x7];
	s0 =	sadd.s32 s0, s12  }
0x97: {  	[dreg:$0x1c] =	wrdreg s0;
	s0 =	sshll.u32 s0, $0x9  }
0x98: {  	s0 =	sadd.s32 s1, s0  }
0x99: {  	[tilespmem:s2], [sflag:$0x2] =	stream.linear.gather [hbm4b:s0+s2], $0x1000, $0x38;
	[tilespmem:$0xC880] =	vst v63  }
0x9a: {  	_ =	swait.ge [sflag:s4], $0x1000  }
0x9b: {  	[sflag:s4] =	ssyncset.done $0x0  }
0x9c: {  	[sflag:s4] =	ssyncadd.s32 $0xFFFFF000  }
0x9d: {  	[tilespmem:$0x1000] =	vst v2  }
0x9e: {  	[tilespmem:$0x1010] =	vst v2  }
0x9f: {  	[tilespmem:$0x1020] =	vst v2  }
0xa0: {  	[tilespmem:$0x1030] =	vst v2  }
0xa1: {  	[tilespmem:$0x1040] =	vst v2  }
0xa2: {  	[tilespmem:$0x1050] =	vst v2  }
0xa3: {  	[tilespmem:$0x1060] =	vst v2  }
0xa4: {  	[tilespmem:$0x1070] =	vst v2  }
0xa5: {  	[tilespmem:$0x1080] =	vst v2  }
0xa6: {  	[tilespmem:$0x1090] =	vst v2  }
0xa7: {  	[tilespmem:$0x10A0] =	vst v2  }
0xa8: {  	[tilespmem:$0x10B0] =	vst v2  }
0xa9: {  	[tilespmem:$0x10C0] =	vst v2  }
0xaa: {  	[tilespmem:$0x10D0] =	vst v2  }
0xab: {  	[tilespmem:$0x10E0] =	vst v2  }
0xac: {  	[tilespmem:$0x10F0] =	vst v2  }
0xad: {  	v8 =	vld [tilespmem:s2+$0x0];
	_ =	sdelay $0x4  }
0xae: {  	vm0 =	vle.f32 v8, $3.999999910e-02  }
0xaf: {  	v9 =	vmpcnt.ones.xlane vm0;
	_ =	sdelay $0x1  }
0xb0: {  	v9 =	vxor.u32 $0x80000000, v9  }
0xb1: {  	(xrf0) =	vmax.scan.msk.u32 $0xffff, v9;
	_ =	sdelay $0x5  }
0xb2: {  	v9, _, _ =	vpop (xrf0)  }
0xb3: {  	[tilespmem:s2+$0x1180] =	vst.msk vm0, v8;
	v8 =	vor.u32 s2, v3;
	(v2sf) =	vpush v9, $0xF  }
0xb4: {  	s0 =	simm.s32 $0x10;
	[tilespmem:s2+$0x2200] =	vst.msk vm0, v8  }
0xb5: {  	s3 =	simm.s32 $0x10;
	s1 =	simm.s32 $0x0;
	s2 =	simm.s32 $0x20;
	v8 =	vld [tilespmem:s0+$0x0]  }
.LBB2_4:
0xb6: {  	p0 =	seq.s32 s2, $0xFF0;
	_ =	sdelay $0x3  }
0xb7: {  	vm0 =	vle.f32 v8, $3.999999910e-02  }
0xb8: {  	v9 =	vmpcnt.ones.xlane vm0;
	_ =	sdelay $0x1  }
0xb9: {  	v9 =	vxor.u32 $0x80000000, v9  }
0xba: {  	(xrf0) =	vmax.scan.msk.u32 $0xffff, v9;
	_ =	sdelay $0x3  }
0xbb: {  	s4 =	spop (v2sf)  }
.Ltmp0:
0xbc: {  	s1 =	sadd.s32 s4, s1;
	(pc) =	sbr.rel @!p0 .LBB2_4-.Ltmp0, $4  }
0xbd: {  	v9, _, _ =	vpop (xrf0);
	s1 =	sadd.s32 $0x80000000, s1  }
0xbe: {  	[tilespmem:s1+$0x1180] =	vst.msk vm0, v8;
	v8 =	vor.u32 s0, v3;
	(v2sf) =	vpush v9, $0xF;
	s0 =	smov.u32 s2  }
0xbf: {  	s3 =	sadd.s32 $0x10, s3;
	[tilespmem:s1+$0x2200] =	vst.msk vm0, v8  }
0xc0: {  	s2 =	sadd.s32 $0x10, s2;
	v8 =	vld [tilespmem:s3+$0x0]  }
0xc1: {  	_ =	sdelay $0x3  }
0xc2: {  	vm0 =	vle.f32 v8, $3.999999910e-02  }
0xc3: {  	v9 =	vmpcnt.ones.xlane vm0;
	_ =	sdelay $0x1  }
0xc4: {  	v9 =	vxor.u32 $0x80000000, v9  }
0xc5: {  	(xrf0) =	vmax.scan.msk.u32 $0xffff, v9;
	_ =	sdelay $0x5  }
0xc6: {  	v9, _, _ =	vpop (xrf0)  }
0xc7: {  	(v2sf) =	vpush v9, $0xF;
	_ =	sdelay $0xc  }
0xc8: {  	s2 =	spop (v2sf)  }
0xc9: {  	s1 =	sadd.s32 s2, s1  }
0xca: {  	s1 =	sadd.s32 $0x80000000, s1;
	s30 =	spop (v2sf)  }
0xcb: {  	s31 =	sadd.s32 s30, s1  }
0xcc: {  	s14 =	simm.s32 $0x0;
	[tilespmem:s1+$0x1180] =	vst.msk vm0, v8;
	v8 =	vor.u32 s0, v3;
	s0 =	sadd.s32 $0x80000000, s31  }
0xcd: {  	[tilespmem:s1+$0x2200] =	vst.msk vm0, v8;
	s1 =	simm.s32 $0x0;
	[dreg:$0x1d] =	wrdreg s0;
	v8 =	vmov s0;
	s0 =	simm.s32 $0x1180  }
.LBB2_6:
0xce: {  	v9 =	vld [tilespmem:s0+$0x0];
	_ =	sdelay $0x4  }
0xcf: {  	v9 =	vmul.f32 $6.400000000e+03, v9;
	_ =	sdelay $0x1  }
0xd0: {  	v9 =	vtrunc.f32 v9  }
0xd1: {  	v9 =	vcvt.f32.s32 v9;
	_ =	sdelay $0x1  }
0xd2: {  	v10 =	vor.u32 s1, v3;
	vm0 =	vlt.s32 v9, $0xFF  }
0xd3: {  	vm1 =	vlt.s32 v10, v8;
	v9 =	vnsel vm0, $0xFF, v9  }
0xd4: {  	p0 =	sne.s32 s1, $0x1F0;
	v9 =	vnsel vm1, $0x0, v9  }
.Ltmp1:
0xd5: {  	_ = 	snop;
	(pc) =	sbr.rel @p0 .LBB2_6-.Ltmp1, $3  }
0xd6: {  	_ =	sdelay $0x1  }
0xd7: {  	s2 =	simm.s32 $0x1000  }
0xd8: {  	s0 =	sadd.s32 $0x10, s0;
	s1 =	sadd.s32 $0x10, s1;
	[tilespmem:v9+s2+$0x0] =	vst.idx.add.s32.msk vm1, v4  }
0xd9: {  	v9 =	vld [tilespmem:s2+$0x0];
	_ =	sdelay $0x4  }
0xda: {  	(xrf0) =	vadd.scan.msk.s32 $0xffff, v9;
	_ =	sdelay $0x2  }
0xdb: {  	s0 =	simm.s32 $0x1010  }
0xdc: {  	v14 =	vld [tilespmem:s0+$0x0];
	_ =	sdelay $0x1  }
0xdd: {  	v10, _, _ =	vpop (xrf0)  }
0xde: {  	(v2sf) =	vpush v10, $0xF  }
0xdf: {  	s31 =	simm.s32 $0x1020  }
0xe0: {  	v13 =	vld [tilespmem:s31+$0x0];
	(xrf0) =	vadd.scan.msk.s32 $0xffff, v14;
	_ =	sdelay $0x4  }
0xe1: {  	(xrf0) =	vadd.scan.msk.s32 $0xffff, v13  }
0xe2: {  	v11, _, _ =	vpop (xrf0)  }
0xe3: {  	(v2sf) =	vpush v11, $0xF;
	_ =	sdelay $0x3  }
0xe4: {  	v15, _, _ =	vpop (xrf0)  }
0xe5: {  	s1 =	simm.s32 $0x1030;
	v16 =	vadd.s32 s14, v10;
	(v2sf) =	vpush v15, $0xF  }
0xe6: {  	v10 =	vld [tilespmem:s1+$0x0];
	vm0 =	vgt.s32 v16, $0x3F;
	s2 =	spop (v2sf)  }
0xe7: {  	v12 =	vsel vm0, $0x1, v2;
	v17 =	vmctz.xlane vm0;
	s0 =	sadd.s32 $0x0, s2  }
0xe8: {  	v12 =	vor.u32 $0x80000000, v12;
	v18 =	vadd.s32 s0, v11  }
0xe9: {  	v17 =	vxor.u32 $0x80000000, v17;
	(xrf0) =	vmax.scan.msk.u32 $0xffff, v12;
	vm8 =	vgt.s32 v18, $0x3F  }
0xea: {  	(xrf0) =	vmax.scan.msk.u32 $0xffff, v17;
	v11 =	vsel vm8, $0x1, v2;
	v12 =	vmctz.xlane vm8  }
0xeb: {  	(xrf0) =	vadd.scan.msk.s32 $0xffff, v10;
	v11 =	vor.u32 $0x80000000, v11  }
0xec: {  	s1 =	simm.s32 $0x1040;
	v17 =	vxor.u32 $0x80000000, v12;
	(xrf0) =	vmax.scan.msk.u32 $0xffff, v11  }
0xed: {  	v12 =	vld [tilespmem:s1+$0x0];
	(xrf0) =	vmax.scan.msk.u32 $0xffff, v17;
	_ =	sdelay $0x1  }
0xee: {  	s3 =	spop (v2sf);
	v11, _, _ =	vpop (xrf0)  }
0xef: {  	s0 =	sadd.s32 s0, s3;
	(v2sf) =	vpush v11, $0xF;
	v11, _, _ =	vpop (xrf0)  }
0xf0: {  	v15 =	vadd.s32 s0, v15;
	(v2sf) =	vpush v11, $0xF;
	v11, _, _ =	vpop (xrf0)  }
0xf1: {  	vm9 =	vgt.s32 v15, $0x3F;
	(v2sf) =	vpush v11, $0xF;
	(xrf0) =	vadd.scan.msk.s32 $0xffff, v12;
	v20, _, _ =	vpop (xrf0)  }
0xf2: {  	v17 =	vsel vm9, $0x1, v2;
	(v2sf) =	vpush v20, $0xF;
	v54, _, _ =	vpop (xrf0)  }
0xf3: {  	s4 =	simm.s32 $0x1050;
	s5 =	spop (v2sf);
	v19 =	vmctz.xlane vm9;
	v17 =	vor.u32 $0x80000000, v17;
	(v2sf) =	vpush v54, $0xF  }
0xf4: {  	(xrf0) =	vmax.scan.msk.u32 $0xffff, v17;
	v17 =	vld [tilespmem:s4+$0x0]  }
0xf5: {  	s0 =	sadd.s32 s0, s5;
	v19 =	vxor.u32 $0x80000000, v19  }
0xf6: {  	(xrf0) =	vmax.scan.msk.u32 $0xffff, v19;
	v19 =	vadd.s32 s0, v11  }
0xf7: {  	vm10 =	vgt.s32 v19, $0x3F;
	v55, _, _ =	vpop (xrf0)  }
0xf8: {  	v11 =	vsel vm10, $0x1, v2;
	(v2sf) =	vpush v55, $0xF  }
0xf9: {  	v11 =	vor.u32 $0x80000000, v11;
	(xrf0) =	vadd.scan.msk.s32 $0xffff, v17  }
0xfa: {  	(xrf0) =	vmax.scan.msk.u32 $0xffff, v11;
	_ =	sdelay $0x2  }
0xfb: {  	v21, _, _ =	vpop (xrf0)  }
0xfc: {  	(v2sf) =	vpush v21, $0xF;
	v11, _, _ =	vpop (xrf0);
	s6 =	spop (v2sf)  }
0xfd: {  	(v2sf) =	vpush v11, $0xF;
	v56, _, _ =	vpop (xrf0);
	s3 =	spop (v2sf)  }
0xfe: {  	s4 =	simm.s32 $0x1060;
	v22 =	vmctz.xlane vm10;
	v11, _, _ =	vpop (xrf0);
	(v2sf) =	vpush v56, $0xF;
	s5 =	sxor.u32 $0x80000000, s3;
	s7 =	spop (v2sf)  }
0xff: {  	v9 =	vsub.s32 v16, v9;
	(v2sf) =	vpush v11, $0xF;
	v11 =	vld [tilespmem:s4+$0x0];
	v16 =	vmov s5;
	s8 =	spop (v2sf)  }
0x100: {  	v22 =	vxor.u32 $0x80000000, v22;
	s0 =	sadd.s32 s0, s7;
	vm11 =	veq.s32 v16, v3;
	s10 =	spop (v2sf)  }
0x101: {  	(xrf0) =	vmax.scan.msk.u32 $0xffff, v22;
	v16 =	vadd.s32 s0, v55;
	v9 =	vnsel vm11, $0x0, v9;
	s11 =	sxor.u32 $0x80000000, s10  }
0x102: {  	v14 =	vsub.s32 v18, v14;
	vm12 =	vgt.s32 v16, $0x3F;
	(xrf0) =	vadd.scan.msk.s32 $0xffff, v9;
	v58 =	vmov s11  }
0x103: {  	v9 =	vsel vm12, $0x1, v2;
	v57 =	vmctz.xlane vm12;
	vm13 =	veq.s32 v58, v3  }
0x104: {  	(xrf0) =	vadd.scan.msk.s32 $0xffff, v11;
	v9 =	vor.u32 $0x80000000, v9;
	v14 =	vnsel vm13, $0x0, v14  }
0x105: {  	v18 =	vxor.u32 $0x80000000, v57;
	(xrf0) =	vmax.scan.msk.u32 $0xffff, v9;
	s15 =	spop (v2sf)  }
0x106: {  	s25 =	simm.s32 $0x80000040;
	s13 =	simm.s32 $0x1070;
	(xrf0) =	vmax.scan.msk.u32 $0xffff, v18;
	s0 =	sadd.s32 s0, s15  }
0x107: {  	s18 =	simm.s32 $0x80000050;
	s19 =	simm.s32 $0x80000060;
	v9 =	vld [tilespmem:s13+$0x0];
	(xrf0) =	vadd.scan.msk.s32 $0xffff, v14;
	v18 =	vadd.s32 s0, v56;
	v14, _, _ =	vpop (xrf0)  }
0x108: {  	p0 =	por $0x1, $0x1;
	s20 =	simm.s32 $0x80000070;
	p1 =	seq.s32 s6, $0x80000001;
	vm14 =	vgt.s32 v18, $0x3F;
	v59, _, _ =	vpop (xrf0);
	(v2sf) =	vpush v14, $0xF  }
0x109: {  	s17 =	simm.s32 $0x0;
	s16 =	simm.s32 $0x0;
	p0 =	por !p0, !p1;
	v14 =	vsel vm14, $0x1, v2;
	(v2sf) =	vpush v59, $0xF  }
0x10a: {  	s26 =	simm.s32 $0x80000080;
	s1 =	simm.s32 $0x80000030;
	p0 =	por !p0, !p0;
	v14 =	vor.u32 $0x80000000, v14  }
0x10b: {  	v60 =	vsub.s32 v15, v13;
	s3 =	sadd.s32 $0x80000000, s3;
	s4 =	simm.s32 $0x1080;
	s17 =	simm.s32 @p0 $0x1;
	v13, _, _ =	vpop (xrf0)  }
0x10c: {  	s7 =	simm.s32 $0x80000090;
	p5 =	seq.s32 s17, $0x0;
	p2 =	seq.s32 s8, $0x80000001;
	v15 =	vmctz.xlane vm14;
	(xrf0) =	vadd.scan.msk.s32 $0xffff, v9;
	(v2sf) =	vpush v13, $0xF;
	v61, _, _ =	vpop (xrf0)  }
0x10d: {  	s16 =	smov.u32 @p0 s3;
	p1 =	por !p5, !p2;
	s22 =	spop (v2sf);
	(xrf0) =	vmax.scan.msk.u32 $0xffff, v14;
	(v2sf) =	vpush v61, $0xF;
	v14, _, _ =	vpop (xrf0)  }
0x10e: {  	p0 =	por p0, p0;
	p1 =	por !p1, !p1;
	s29 =	spop (v2sf);
	v63 =	vxor.u32 $0x80000000, v15;
	v15 =	vsub.s32 v19, v10;
	(v2sf) =	vpush v14, $0xF;
	v10, _, _ =	vpop (xrf0)  }
0x10f: {  	s17 =	simm.s32 @p1 $0x1;
	s30 =	sxor.u32 $0x80000000, s29;
	s31 =	spop (v2sf);
	(v2sf) =	vpush v10, $0xF  }
0x110: {  	s8 =	simm.s32 $0x800000A0;
	p6 =	seq.s32 s17, $0x0;
	p3 =	seq.s32 s22, $0x80000001;
	v62 =	vmov s30  }
0x111: {  	p0 =	por p0, p0;
	s2 =	sadd.s32 $0x80000010, s10;
	p2 =	por !p6, !p3;
	vm15 =	veq.s32 v62, v3  }
0x112: {  	s16 =	smov.u32 @p1 s2;
	s2 =	sadd.s32 $0x80000020, s29;
	p2 =	por !p2, !p2;
	v19 =	vnsel vm15, $0x0, v60;
	(xrf0) =	vmax.scan.msk.u32 $0xffff, v63  }
0x113: {  	p1 =	por p1, p1;
	s17 =	simm.s32 @p2 $0x1;
	s16 =	smov.u32 @p2 s2;
	(xrf0) =	vadd.scan.msk.s32 $0xffff, v19  }
0x114: {  	v16 =	vsub.s32 v16, v12;
	s2 =	simm.s32 $0x800000B0;
	s3 =	sadd.s32 s0, s31;
	s5 =	spop (v2sf);
	v14 =	vsub.s32 v18, v17;
	v10 =	vld [tilespmem:s4+$0x0]  }
.LBB2_8:
0x115: {  	p3 =	sne.s32 s2, $0x800000F0;
	p5 =	seq.s32 s17, $0x0;
	p6 =	seq.s32 s5, $0x80000001  }
0x116: {  	v12 =	vadd.s32 s3, v13;
	v13, _, _ =	vpop (xrf0);
	p4 =	por p0, p0;
	p0 =	por p1, p1;
	p1 =	por p2, p2  }
0x117: {  	(v2sf) =	vpush v13, $0xF;
	vm0 =	vgt.s32 v12, $0x3F;
	v12 =	vsub.s32 v12, v11;
	v11, _, _ =	vpop (xrf0);
	p2 =	por !p5, !p6;
	s0 =	spop (v2sf)  }
0x118: {  	v17 =	vsel vm0, $0x1, v2;
	v18 =	vmctz.xlane vm0;
	(v2sf) =	vpush v11, $0xF;
	v19, _, _ =	vpop (xrf0);
	s5 =	sxor.u32 $0x80000000, s0;
	p2 =	por !p2, !p2;
	s6 =	spop (v2sf)  }
0x119: {  	s0 =	sadd.s32 s1, s0;
	v11 =	vmov v9;
	(xrf0) =	vadd.scan.msk.s32 $0xffff, v10;
	v17 =	vor.u32 $0x80000000, v17;
	v20 =	vmov s5;
	s17 =	simm.s32 @p2 $0x1;
	v21, _, _ =	vpop (xrf0);
	s14 =	smov.u32 @p4 s6  }
.Ltmp2:
0x11a: {  	s1 =	smov.u32 s25;
	s16 =	smov.u32 @p2 s0;
	v9 =	vmovc v10;
	v18 =	vxor.u32 $0x80000000, v18;
	(xrf0) =	vmax.scan.msk.u32 $0xffff, v17;
	(v2sf) =	vpush v19, $0xF;
	vm0 =	veq.s32 v20, v3;
	(pc) =	sbr.rel @p3 .LBB2_8-.Ltmp2, $4  }
0x11b: {  	s25 =	smov.u32 s18;
	s18 =	smov.u32 s19;
	s19 =	smov.u32 s20;
	(xrf0) =	vmax.scan.msk.u32 $0xffff, v18;
	v10 =	vnsel vm0, $0x0, v15;
	(v2sf) =	vpush v21, $0xF;
	v15 =	vmovc v16;
	v16 =	vmov v14  }
0x11c: {  	s4 =	sadd.s32 $0x10, s4;
	s20 =	smov.u32 s26;
	s26 =	smov.u32 s7;
	v14 =	vmov v12;
	(xrf0) =	vadd.scan.msk.s32 $0xffff, v10  }
0x11d: {  	s7 =	smov.u32 s8;
	s8 =	smov.u32 s2;
	v10 =	vld [tilespmem:s4+$0x0];
	s0 =	spop (v2sf)  }
0x11e: {  	s2 =	sadd.s32 $0x10, s2;
	s3 =	sadd.s32 s3, s0;
	s5 =	spop (v2sf)  }
0x11f: {  	v18 =	vadd.s32 s3, v13  }
0x120: {  	s2 =	spop (v2sf);
	s0 =	sadd.s32 $0x10, s4;
	vm0 =	vgt.s32 v18, $0x3F  }
0x121: {  	s29 =	sxor.u32 $0x80000000, s2;
	v12 =	vld [tilespmem:s0+$0x0];
	v59 =	vsel vm0, $0x1, v2;
	v17 =	vmctz.xlane vm0  }
0x122: {  	v20, _, _ =	vpop (xrf0);
	v19 =	vmov s29;
	(xrf0) =	vadd.scan.msk.s32 $0xffff, v10;
	v13 =	vor.u32 $0x80000000, v59  }
0x123: {  	(v2sf) =	vpush v20, $0xF;
	vm0 =	veq.s32 v19, v3;
	v17 =	vxor.u32 $0x80000000, v17;
	(xrf0) =	vmax.scan.msk.u32 $0xffff, v13  }
0x124: {  	v60, _, _ =	vpop (xrf0);
	v15 =	vnsel vm0, $0x0, v15;
	(xrf0) =	vmax.scan.msk.u32 $0xffff, v17  }
0x125: {  	v61, _, _ =	vpop (xrf0);
	(xrf0) =	vadd.scan.msk.s32 $0xffff, v15  }
0x126: {  	(v2sf) =	vpush v60, $0xF;
	v62, _, _ =	vpop (xrf0);
	(xrf0) =	vadd.scan.msk.s32 $0xffff, v12  }
0x127: {  	(v2sf) =	vpush v61, $0xF  }
0x128: {  	(v2sf) =	vpush v62, $0xF;
	v63, _, _ =	vpop (xrf0)  }
0x129: {  	(v2sf) =	vpush v63, $0xF;
	v21, _, _ =	vpop (xrf0)  }
0x12a: {  	(v2sf) =	vpush v21, $0xF;
	v22, _, _ =	vpop (xrf0)  }
0x12b: {  	s29 =	spop (v2sf);
	v23, _, _ =	vpop (xrf0);
	(v2sf) =	vpush v22, $0xF  }
0x12c: {  	s30 =	spop (v2sf);
	(v2sf) =	vpush v23, $0xF;
	v24, _, _ =	vpop (xrf0)  }
0x12d: {  	s31 =	sadd.s32 s3, s30;
	(v2sf) =	vpush v24, $0xF  }
0x12e: {  	v25 =	vadd.s32 s31, v20  }
0x12f: {  	s11 =	spop (v2sf);
	vm0 =	vgt.s32 v25, $0x3F  }
0x130: {  	s6 =	spop (v2sf);
	v26 =	vsel vm0, $0x1, v2;
	v21 =	vmctz.xlane vm0  }
0x131: {  	s0 =	sadd.s32 $0x10, s0;
	s30 =	spop (v2sf);
	v20 =	vor.u32 $0x80000000, v26  }
0x132: {  	v27 =	vld [tilespmem:s0+$0x0];
	s10 =	sxor.u32 $0x80000000, s6;
	(xrf0) =	vmax.scan.msk.u32 $0xffff, v20;
	v28 =	vxor.u32 $0x80000000, v21;
	s13 =	spop (v2sf)  }
0x133: {  	v22 =	vmov s10;
	(xrf0) =	vmax.scan.msk.u32 $0xffff, v28;
	s15 =	sadd.s32 s31, s13  }
0x134: {  	vm0 =	veq.s32 v22, v3;
	v30 =	vadd.s32 s15, v63  }
0x135: {  	v29 =	vnsel vm0, $0x0, v16;
	s0 =	spop (v2sf);
	vm0 =	vgt.s32 v30, $0x3F  }
0x136: {  	(xrf0) =	vadd.scan.msk.s32 $0xffff, v29;
	s31 =	spop (v2sf);
	v31 =	vsel vm0, $0x1, v2  }
0x137: {  	(xrf0) =	vadd.scan.msk.s32 $0xffff, v27;
	s3 =	spop (v2sf);
	v32 =	vmctz.xlane vm0;
	v17 =	vor.u32 $0x80000000, v31  }
0x138: {  	s22 =	sxor.u32 $0x80000000, s31;
	v35, _, _ =	vpop (xrf0);
	(xrf0) =	vmax.scan.msk.u32 $0xffff, v17;
	s10 =	spop (v2sf)  }
0x139: {  	v33 =	vmov s22;
	(v2sf) =	vpush v35, $0xF;
	v36, _, _ =	vpop (xrf0);
	v20 =	vxor.u32 $0x80000000, v32;
	s13 =	sadd.s32 s15, s10;
	s22 =	spop (v2sf)  }
0x13a: {  	p3 =	seq.s32 s17, $0x0;
	p4 =	seq.s32 s5, $0x80000001;
	vm0 =	veq.s32 v33, v3;
	(v2sf) =	vpush v36, $0xF;
	(xrf0) =	vmax.scan.msk.u32 $0xffff, v20;
	v34 =	vadd.s32 s13, v24;
	s10 =	spop (v2sf)  }
0x13b: {  	p3 =	por !p3, !p4;
	v14 =	vnsel vm0, $0x0, v14;
	vm1 =	vgt.s32 v34, $0x3F;
	s4 =	spop (v2sf);
	s5 =	sxor.u32 $0x80000000, s10  }
0x13c: {  	v11 =	vsub.s32 v18, v11;
	p3 =	por !p3, !p3;
	v38, _, _ =	vpop (xrf0);
	(xrf0) =	vadd.scan.msk.s32 $0xffff, v14;
	v37 =	vsel vm1, $0x1, v2;
	s15 =	spop (v2sf);
	v40 =	vmov s5  }
0x13d: {  	s17 =	simm.s32 @p3 $0x1;
	v41, _, _ =	vpop (xrf0);
	(v2sf) =	vpush v38, $0xF;
	v42 =	vmctz.xlane vm1;
	s5 =	simm.s32 @!p3 $0x0;
	v39 =	vor.u32 $0x80000000, v37;
	s13 =	sadd.s32 s13, s15  }
0x13e: {  	p5 =	seq.s32 s11, $0x80000001;
	v44, _, _ =	vpop (xrf0);
	s5 =	simm.s32 @p3 $0x1;
	(v2sf) =	vpush v41, $0xF;
	vm0 =	veq.s32 v40, v3;
	p3 =	seq.s32 s17, $0x0;
	(xrf0) =	vmax.scan.msk.u32 $0xffff, v39;
	v43 =	vadd.s32 s13, v41  }
0x13f: {  	v45 =	vxor.u32 $0x80000000, v42;
	(v2sf) =	vpush v44, $0xF;
	p3 =	por !p3, !p5;
	vm1 =	vgt.s32 v43, $0x3F  }
0x140: {  	v47, _, _ =	vpop (xrf0);
	v11 =	vnsel vm0, $0x0, v11;
	(xrf0) =	vmax.scan.msk.u32 $0xffff, v45;
	p3 =	por !p3, !p3;
	v46 =	vsel vm1, $0x1, v2  }
0x141: {  	[smem:$0x7F8] =	sst s5;
	(v2sf) =	vpush v47, $0xF;
	(xrf0) =	vadd.scan.msk.s32 $0xffff, v11;
	s5 =	simm.s32 @!p3 $0x0;
	s17 =	simm.s32 @p3 $0x1;
	v11 =	vor.u32 $0x80000000, v46  }
0x142: {  	p6 =	seq.s32 s0, $0x80000001;
	v48, _, _ =	vpop (xrf0);
	s5 =	simm.s32 @p3 $0x1;
	p3 =	seq.s32 s17, $0x0  }
0x143: {  	(v2sf) =	vpush v48, $0xF;
	p3 =	por !p3, !p6  }
0x144: {  	v49 =	vmctz.xlane vm1;
	(xrf0) =	vmax.scan.msk.u32 $0xffff, v11;
	p6 =	por !p3, !p3;
	v11, _, _ =	vpop (xrf0)  }
0x145: {  	s17 =	simm.s32 @p6 $0x1;
	(v2sf) =	vpush v11, $0xF  }
0x146: {  	p5 =	seq.s32 s22, $0x80000001;
	v11 =	vxor.u32 $0x80000000, v49;
	p4 =	seq.s32 s17, $0x0  }
0x147: {  	[smem:$0x7F9] =	sst s5;
	s0 =	simm.s32 @!p6 $0x0;
	v50, _, _ =	vpop (xrf0);
	(xrf0) =	vmax.scan.msk.u32 $0xffff, v11;
	p3 =	por !p4, !p5  }
0x148: {  	s15 =	spop (v2sf);
	s0 =	simm.s32 @p6 $0x1;
	p5 =	por !p3, !p3  }
0x149: {  	s11 =	spop (v2sf);
	[smem:$0x7FA] =	sst s0;
	(v2sf) =	vpush v50, $0xF;
	v11, _, _ =	vpop (xrf0);
	s17 =	simm.s32 @p5 $0x1  }
0x14a: {  	p4 =	seq.s32 s15, $0x80000001;
	s5 =	simm.s32 @!p5 $0x0;
	(v2sf) =	vpush v11, $0xF;
	v11, _, _ =	vpop (xrf0);
	p3 =	seq.s32 s17, $0x0  }
0x14b: {  	s15 =	sld [smem:$0x7F8];
	s5 =	simm.s32 @p5 $0x1;
	(v2sf) =	vpush v11, $0xF;
	p3 =	por !p3, !p4  }
0x14c: {  	[smem:$0x7FB] =	sst s5;
	s5 =	spop (v2sf);
	p3 =	por !p3, !p3  }
0x14d: {  	v11, _, _ =	vpop (xrf0);
	s22 =	spop (v2sf);
	s0 =	simm.s32 @!p3 $0x0;
	s17 =	simm.s32 @p3 $0x1  }
0x14e: {  	(v2sf) =	vpush v11, $0xF;
	s0 =	simm.s32 @p3 $0x1;
	s13 =	spop (v2sf);
	p3 =	seq.s32 s17, $0x0  }
0x14f: {  	[tilespmem:$0x3280] =	vst v5;
	[smem:$0x7FC] =	sst s0;
	p4 =	seq.s32 s13, $0x80000001;
	s0 =	sadd.s32 s1, s2  }
0x150: {  	[tilespmem:$0x4280] =	vst v2;
	s1 =	spop (v2sf);
	s13 =	sadd.s32 s20, s11;
	p3 =	por !p3, !p4  }
0x151: {  	[tilespmem:$0x1100] =	vst v2;
	s11 =	sxor.u32 $0x80000000, s11;
	p4 =	seq.s32 s15, $0x1;
	p3 =	por !p3, !p3  }
0x152: {  	[tilespmem:$0x1110] =	vst v2;
	s2 =	spop (v2sf);
	s16 =	smov.u32 @p4 s0;
	s0 =	simm.s32 @!p3 $0x0  }
0x153: {  	[tilespmem:$0x1120] =	vst v2;
	s15 =	sld [smem:$0x7F9];
	s17 =	simm.s32 @p3 $0x1;
	s0 =	simm.s32 @p3 $0x1  }
0x154: {  	[tilespmem:$0x1130] =	vst v2;
	p4 =	seq.s32 s17, $0x0;
	[smem:$0x7FD] =	sst s0;
	s22 =	spop (v2sf)  }
0x155: {  	[tilespmem:$0x1140] =	vst v2;
	s0 =	sadd.s32 s25, s6;
	s25 =	simm.s32 $0x1180;
	p3 =	seq.s32 s22, $0x80000001  }
0x156: {  	v11 =	vld [tilespmem:s25+$0x0];
	s25 =	sld [smem:$0x7FC];
	p3 =	por !p4, !p3;
	p4 =	seq.s32 s15, $0x1  }
0x157: {  	s16 =	smov.u32 @p4 s0;
	s0 =	sadd.s32 s18, s31;
	p4 =	por !p3, !p3  }
0x158: {  	s16 =	smov.u32 @p6 s0;
	s0 =	sadd.s32 s19, s10;
	s19 =	spop (v2sf)  }
0x159: {  	s17 =	simm.s32 @p4 $0x1;
	s16 =	smov.u32 @p5 s0;
	s6 =	spop (v2sf)  }
0x15a: {  	s0 =	sadd.s32 s26, s1;
	s26 =	sld [smem:$0x7FD];
	s22 =	spop (v2sf)  }
0x15b: {  	v52 =	vmov s11;
	s11 =	simm.s32 $0x0;
	p5 =	seq.s32 s17, $0x0;
	p6 =	seq.s32 s22, $0x80000001  }
0x15c: {  	v51 =	vmul.f32 $6.400000000e+03, v11;
	s1 =	sxor.u32 $0x80000000, s1;
	p3 =	por !p5, !p6;
	p5 =	seq.s32 s25, $0x1  }
0x15d: {  	s31 =	spop (v2sf);
	s16 =	smov.u32 @p5 s13;
	p5 =	seq.s32 s26, $0x1  }
0x15e: {  	v9 =	vsub.s32 v25, v9;
	v10 =	vsub.s32 v30, v10;
	v53 =	vtrunc.f32 v51;
	p3 =	por !p3, !p3;
	s13 =	rddreg [dreg:$0x1d];
	s16 =	smov.u32 @p5 s0  }
0x15f: {  	v12 =	vsub.s32 v34, v12;
	vm0 =	veq.s32 v52, v3;
	v54 =	vcvt.f32.s32 v53;
	s0 =	sadd.s32 s7, s19;
	s17 =	simm.s32 @p3 $0x1;
	p6 =	slt.s32 s13, $0x41  }
0x160: {  	v13 =	vsub.s32 v43, v27;
	v55 =	vnsel vm0, $0x0, v9;
	v9 =	vmov s1;
	s16 =	smov.u32 @p4 s0;
	s0 =	sadd.s32 s8, s31;
	p5 =	seq.s32 s17, $0x0  }
0x161: {  	s15 =	sxor.u32 $0x80000000, s19;
	vm0 =	veq.s32 v9, v3;
	v9 =	vor.u32 s11, v3;
	vm1 =	vlt.s32 v54, $0xFF;
	p5 =	por p6, p5;
	s16 =	smov.u32 @p3 s0  }
0x162: {  	v56 =	vmov s15;
	vm2 =	vlt.s32 v9, v8;
	v15 =	vnsel vm1, $0xFF, v54;
	s16 =	simm.s32 @p5 $0x100  }
0x163: {  	vm1 =	veq.s32 v56, v3;
	v15 =	vnsel vm2, $0x0, v15;
	v9 =	vmov s16  }
0x164: {  	v10 =	vnsel vm0, $0x0, v10;
	v12 =	vnsel vm1, $0x0, v12;
	s16 =	sxor.u32 $0x80000000, s31;
	vm0 =	veq.s32 v15, v9  }
0x165: {  	(xrf0) =	vadd.scan.msk.s32 $0xffff, v55;
	v57 =	vmov s16;
	vm1 =	vlt.s32 v15, v9;
	vm0 =	vmand vm2, vm0  }
0x166: {  	(xrf0) =	vadd.scan.msk.s32 $0xffff, v10;
	s17 =	simm.s32 $0x2200;
	vm1 =	vmand vm2, vm1;
	vm2 =	veq.s32 v57, v3;
	v10 =	vmpcnt.ones.xlane vm0  }
0x167: {  	v59 =	vld [tilespmem:s17+$0x0];
	(xrf0) =	vadd.scan.msk.s32 $0xffff, v12;
	v58 =	vnsel vm2, $0x0, v13  }
0x168: {  	(xrf0) =	vadd.scan.msk.s32 $0xffff, v58;
	v10 =	vxor.u32 $0x80000000, v10  }
0x169: {  	v60 =	vmpcnt.ones.xlane vm1;
	_ =	sdelay $0x1  }
0x16a: {  	v61 =	vxor.u32 $0x80000000, v60;
	(xrf0) =	vmax.scan.msk.u32 $0xffff, v10;
	v10, _, _ =	vpop (xrf0)  }
0x16b: {  	[tilespmem:s11+$0x1100] =	vst.msk vm1, v59;
	(xrf0) =	vmax.scan.msk.u32 $0xffff, v61;
	(v2sf) =	vpush v10, $0xF;
	v10, _, _ =	vpop (xrf0)  }
0x16c: {  	[tilespmem:s11+$0x3280] =	vst.msk vm0, v11;
	(v2sf) =	vpush v10, $0xF;
	v10, _, _ =	vpop (xrf0)  }
0x16d: {  	p0 =	por p0, p0;
	p2 =	por p2, p2;
	s1 =	simm.s32 $0x1190;
	[tilespmem:s11+$0x4280] =	vst.msk vm0, v59;
	(v2sf) =	vpush v10, $0xF;
	v10, _, _ =	vpop (xrf0)  }
0x16e: {  	p1 =	por p1, p1;
	p2 =	por p2, p2;
	s20 =	sld [smem:$0x7FA];
	(v2sf) =	vpush v10, $0xF;
	v10 =	vld [tilespmem:s1+$0x0]  }
0x16f: {  	s14 =	smov.u32 @p0 s29;
	p0 =	por p1, p1;
	s18 =	sld [smem:$0x7F8]  }
0x170: {  	p1 =	por p2, p2;
	s14 =	smov.u32 @p0 s30;
	s29 =	sld [smem:$0x7FD];
	v11, _, _ =	vpop (xrf0)  }
0x171: {  	s14 =	smov.u32 @p1 s3;
	s19 =	sld [smem:$0x7F9];
	(v2sf) =	vpush v11, $0xF;
	v12, _, _ =	vpop (xrf0)  }
0x172: {  	s3 =	simm.s32 $0x2210;
	s22 =	sld [smem:$0x7FB];
	p6 =	seq.s32 s18, $0x1;
	(v2sf) =	vpush v12, $0xF  }
0x173: {  	s25 =	sld [smem:$0x7FC];
	s26 =	simm.s32 $0x10;
	p0 =	por p6, p6;
	v11 =	vmul.f32 $6.400000000e+03, v10  }
0x174: {  	p2 =	seq.s32 s19, $0x1;
	p6 =	seq.s32 s20, $0x1;
	p0 =	por p0, p0  }
0x175: {  	p1 =	por p2, p2;
	p2 =	por p6, p6;
	p6 =	seq.s32 s22, $0x1;
	v11 =	vtrunc.f32 v11  }
0x176: {  	p0 =	por p0, p0;
	p1 =	por p1, p1;
	p2 =	por p2, p2;
	v11 =	vcvt.f32.s32 v11  }
0x177: {  	s14 =	smov.u32 @p0 s4;
	p0 =	por p1, p1;
	p1 =	por p2, p2  }
0x178: {  	v62 =	vor.u32 s26, v3;
	p2 =	seq.s32 s25, $0x1;
	s14 =	smov.u32 @p0 s5;
	p0 =	por p6, p6;
	vm0 =	vlt.s32 v11, $0xFF  }
0x179: {  	vm1 =	vlt.s32 v62, v8;
	s14 =	smov.u32 @p1 s2;
	p0 =	por p0, p0;
	p1 =	por p2, p2;
	v11 =	vnsel vm0, $0xFF, v11  }
0x17a: {  	p2 =	seq.s32 s29, $0x1;
	p0 =	por p0, p0;
	p6 =	por p1, p1;
	v11 =	vnsel vm1, $0x0, v11  }
0x17b: {  	p1 =	por p2, p2;
	s14 =	smov.u32 @p0 s6;
	p0 =	por p6, p6;
	vm0 =	veq.s32 v11, v9  }
0x17c: {  	p1 =	por p1, p1;
	p6 =	por p4, p4;
	s0 =	spop (v2sf);
	vm0 =	vmand vm1, vm0  }
0x17d: {  	s14 =	smov.u32 @p0 s0;
	p0 =	por p1, p1;
	s0 =	spop (v2sf);
	vm2 =	vlt.s32 v11, v9;
	v11 =	vmpcnt.ones.xlane vm0  }
0x17e: {  	p2 =	por p6, p6;
	s14 =	smov.u32 @p0 s0;
	s0 =	spop (v2sf)  }
0x17f: {  	p4 =	por p3, p3;
	p0 =	por p2, p2;
	vm1 =	vmand vm1, vm2;
	s2 =	spop (v2sf);
	v11 =	vxor.u32 $0x80000000, v11  }
0x180: {  	p6 =	por p4, p4;
	s14 =	smov.u32 @p0 s0;
	v63 =	vmpcnt.ones.xlane vm1;
	s30 =	spop (v2sf);
	(xrf0) =	vmax.scan.msk.u32 $0xffff, v11;
	v11 =	vld [tilespmem:s3+$0x0]  }
0x181: {  	p0 =	por p6, p6;
	s0 =	sadd.s32 $0x0, s30;
	s31 =	spop (v2sf)  }
0x182: {  	s14 =	smov.u32 @p0 s2;
	v12 =	vxor.u32 $0x80000000, v63;
	s0 =	sadd.s32 $0x80000000, s0;
	s2 =	sadd.s32 $0x0, s31  }
0x183: {  	s4 =	simm.s32 $0x20;
	(xrf0) =	vmax.scan.msk.u32 $0xffff, v12;
	p1 =	slt.s32 s0, $0xFF0;
	s2 =	sadd.s32 $0x80000000, s2  }
.LBB2_10:
0x184: {  	p0 =	sne.s32 s4, $0x1F0  }
0x185: {  	[tilespmem:s2+$0x1100] =	vst.msk vm1, v11;
	s0 =	simm.s32 @!p1 $0xFF0;
	s5 =	smov.u32 s4;
	s4 =	sadd.s32 $0x10, s4  }
0x186: {  	[tilespmem:s0+$0x3280] =	vst.msk vm0, v10  }
0x187: {  	[tilespmem:s0+$0x4280] =	vst.msk vm0, v11  }
0x188: {  	s1 =	sadd.s32 $0x10, s1  }
0x189: {  	v10 =	vld [tilespmem:s1+$0x0];
	v11, _, _ =	vpop (xrf0)  }
0x18a: {  	v12, _, _ =	vpop (xrf0);
	(v2sf) =	vpush v11, $0xF  }
0x18b: {  	(v2sf) =	vpush v12, $0xF;
	_ =	sdelay $0x2  }
0x18c: {  	v11 =	vmul.f32 $6.400000000e+03, v10;
	_ =	sdelay $0x1  }
0x18d: {  	v11 =	vtrunc.f32 v11  }
0x18e: {  	v11 =	vcvt.f32.s32 v11;
	_ =	sdelay $0x1  }
0x18f: {  	v12 =	vor.u32 s5, v3;
	vm0 =	vlt.s32 v11, $0xFF  }
0x190: {  	vm2 =	vlt.s32 v12, v8;
	v11 =	vnsel vm0, $0xFF, v11  }
0x191: {  	v11 =	vnsel vm2, $0x0, v11  }
0x192: {  	vm0 =	vlt.s32 v11, v9;
	vm3 =	veq.s32 v11, v9  }
0x193: {  	s3 =	sadd.s32 $0x10, s3;
	vm1 =	vmand vm2, vm0;
	vm0 =	vmand vm2, vm3  }
.Ltmp3:
0x194: {  	v11 =	vld [tilespmem:s3+$0x0];
	v12 =	vmpcnt.ones.xlane vm1;
	v13 =	vmpcnt.ones.xlane vm0;
	(pc) =	sbr.rel @p0 .LBB2_10-.Ltmp3, $4  }
0x195: {  	s5 =	spop (v2sf)  }
0x196: {  	v12 =	vxor.u32 $0x80000000, v12;
	v13 =	vxor.u32 $0x80000000, v13;
	s0 =	sadd.s32 s5, s0;
	s5 =	spop (v2sf)  }
0x197: {  	(xrf0) =	vmax.scan.msk.u32 $0xffff, v13;
	s2 =	sadd.s32 s5, s2;
	s0 =	sadd.s32 $0x80000000, s0  }
0x198: {  	(xrf0) =	vmax.scan.msk.u32 $0xffff, v12;
	s2 =	sadd.s32 $0x80000000, s2;
	p1 =	slt.s32 s0, $0xFF0  }
0x199: {  	[tilespmem:s2+$0x1100] =	vst.msk vm1, v11;
	s0 =	simm.s32 @!p1 $0xFF0  }
0x19a: {  	[tilespmem:s0+$0x3280] =	vst.msk vm0, v10  }
0x19b: {  	[tilespmem:s0+$0x4280] =	vst.msk vm0, v11  }
0x19c: {  	v8 =	vld [tilespmem:$0x3280]  }
0x19d: {  	v9 =	vld [tilespmem:$0x4280];
	_ =	sdelay $0x4  }
0x19e: {  	(xrf1) =	vsort.ascd.msk.f32 $0xffff, v8, v9;
	_ =	sdelay $0x9  }
0x19f: {  	s1 =	ssub.s32 $0x40, s14  }
0x1a0: {  	s1 =	simm.s32 @p5 $0x0  }
0x1a1: {  	s26 =	sadd.s32 $0xFFFFFFFF, s1  }
0x1a2: {  	v10 =	vmov s26  }
0x1a3: {  	vm0 =	veq.s32 v10, v3;
	v11, _, _ =	vpop (xrf1)  }
0x1a4: {  	v10 =	vnsel vm0, $0x0, v11  }
0x1a5: {  	(xrf2) =	vadd.scan.msk.f32 $0xffff, v10;
	_ =	sdelay $0x9  }
0x1a6: {  	v10, _, _ =	vpop (xrf2)  }
0x1a7: {  	v10 =	vbroadcast v10, $0xF;
	_ =	sdelay $0x1  }
0x1a8: {  	vm0 =	vlt.f32 v8, v10  }
0x1a9: {  	v11 =	vmpcnt.ones.xlane vm0;
	_ =	sdelay $0x1  }
0x1aa: {  	v11 =	vxor.u32 $0x80000000, v11  }
0x1ab: {  	(xrf0) =	vmax.scan.msk.u32 $0xffff, v11;
	_ =	sdelay $0x3  }
0x1ac: {  	v11, _, _ =	vpop (xrf0)  }
0x1ad: {  	v12, _, _ =	vpop (xrf0);
	(v2sf) =	vpush v11, $0xF  }
0x1ae: {  	(v2sf) =	vpush v12, $0xF;
	v11, _, _ =	vpop (xrf0)  }
0x1af: {  	(v2sf) =	vpush v11, $0xF;
	_ =	sdelay $0x8  }
0x1b0: {  	vm1 =	veq.f32 v8, v10  }
0x1b1: {  	v8 =	vsel vm1, $0x1, v2  }
0x1b2: {  	(xrf0) =	vadd.scan.msk.s32 $0xffff, v8;
	_ =	sdelay $0x1  }
0x1b3: {  	s29 =	spop (v2sf)  }
0x1b4: {  	s0 =	spop (v2sf)  }
0x1b5: {  	s3 =	spop (v2sf)  }
0x1b6: {  	s3 =	sxor.u32 $0x80000000, s3  }
0x1b7: {  	v8, _, _ =	vpop (xrf0);
	s3 =	ssub.s32 s1, s3  }
0x1b8: {  	vm2 =	vle.s32 v8, s3  }
0x1b9: {  	s0 =	sadd.s32 s0, s2;
	vm1 =	vmand vm1, vm2  }
0x1ba: {  	s3 =	sadd.s32 $0x80000000, s0;
	vm0 =	vmor vm0, vm1  }
0x1bb: {  	s30 =	simm.s32 $0x1100;
	[tilespmem:s3+$0x1100] =	vst.msk vm0, v9  }
0x1bc: {  	v8 =	vld [tilespmem:s30+$0x0];
	_ =	sdelay $0x4  }
0x1bd: {  	s31 =	simm.s32 $0x8480;
	v9 =	vadd.s32 v0, v8  }
0x1be: {  	[tilespmem:s31+$0x0] =	vst v9  }
0x1bf: {  	v9 =	vld [tilespmem:s9+$0x8300];
	_ =	sdelay $0x2  }
0x1c0: {  	v10 =	vmov s12  }
0x1c1: {  	vm0 =	veq.s32 v10, v3  }
0x1c2: {  	v9 =	vnsel vm0, $0x0, v9  }
0x1c3: {  	(xrf2) =	vadd.scan.msk.f32 $0xffff, v9;
	v9 =	vld [tilespmem:s9+$0x8280];
	_ =	sdelay $0x2  }
0x1c4: {  	v10 =	vld [tilespmem:s9+$0x8380];
	_ =	sdelay $0x1  }
0x1c5: {  	v9 =	vnsel vm0, $0x0, v9  }
0x1c6: {  	(xrf2) =	vadd.scan.msk.f32 $0xffff, v9;
	_ =	sdelay $0x1  }
0x1c7: {  	v10 =	vnsel vm0, $0x0, v10  }
0x1c8: {  	(xrf2) =	vadd.scan.msk.f32 $0xffff, v10;
	_ =	sdelay $0x1  }
0x1c9: {  	s6 =	simm.s32 $0x0;
	s7 =	simm.s32 $0x1110  }
0x1ca: {  	s8 =	simm.s32 $0x8490;
	s10 =	simm.s32 $0x20;
	s5 =	simm.s32 $0x1110  }
0x1cb: {  	s4 =	simm.s32 $0x8490;
	s13 =	simm.s32 $0x0;
	s2 =	simm.s32 $0x10;
	v9 =	vld.idx.msk [tilespmem:v8+s21+$0x0], $0xffff;
	v10, _, _ =	vpop (xrf2)  }
.LBB2_12:
0x1cc: {  	p0 =	sne.s32 s10, $0x30;
	s7 =	sadd.s32 $0x10, s7;
	s8 =	sadd.s32 $0x10, s8  }
0x1cd: {  	v12 =	vmov s6;
	s6 =	smov.u32 s2;
	s2 =	smov.u32 s10;
	s10 =	sadd.s32 $0x10, s10;
	v11 =	vld.idx.msk [tilespmem:v8+s23+$0x0], $0xffff  }
0x1ce: {  	v12 =	vshll.u32 v12, $0x3;
	v8 =	vld.idx.msk [tilespmem:v8+s24+$0x0], $0xffff;
	v13, _, _ =	vpop (xrf2)  }
0x1cf: {  	v12 =	vor.u32 v6, v12  }
0x1d0: {  	v13 =	vbroadcast v13, $0xF;
	v14 =	vor.u32 $0x1, v12  }
0x1d1: {  	v10 =	vbroadcast v10, $0xF;
	v15 =	vor.u32 $0x2, v12;
	v16, _, _ =	vpop (xrf2)  }
0x1d2: {  	v9 =	vsub.f32 v9, v13;
	v13 =	vbroadcast v16, $0xF  }
0x1d3: {  	v10 =	vsub.f32 v11, v10  }
0x1d4: {  	[tilespmem:v12+s28+$0x0] =	vst.idx.msk $0xffff, v9;
	v8 =	vsub.f32 v8, v13  }
0x1d5: {  	[tilespmem:v14+s28+$0x0] =	vst.idx.msk $0xffff, v10  }
0x1d6: {  	[tilespmem:v15+s28+$0x0] =	vst.idx.msk $0xffff, v8  }
0x1d7: {  	v8 =	vld [tilespmem:s5+$0x0];
	s5 =	smov.u32 s7;
	_ =	sdelay $0x4  }
0x1d8: {  	v9 =	vadd.s32 v0, v8  }
0x1d9: {  	[tilespmem:s4+$0x0] =	vst v9;
	s4 =	smov.u32 s8  }
0x1da: {  	v10 =	vld [tilespmem:s9+$0x8300]  }
0x1db: {  	v9 =	vld.idx.msk [tilespmem:v8+s21+$0x0], $0xffff;
	_ =	sdelay $0x1  }
0x1dc: {  	v11 =	vld [tilespmem:s9+$0x8280];
	_ =	sdelay $0x1  }
0x1dd: {  	v10 =	vnsel vm0, $0x0, v10;
	v12 =	vld [tilespmem:s9+$0x8380]  }
0x1de: {  	(xrf2) =	vadd.scan.msk.f32 $0xffff, v10;
	_ =	sdelay $0x1  }
0x1df: {  	v10 =	vnsel vm0, $0x0, v11  }
0x1e0: {  	(xrf2) =	vadd.scan.msk.f32 $0xffff, v10  }
0x1e1: {  	v10 =	vnsel vm0, $0x0, v12;
	_ =	sdelay $0x1  }
.Ltmp4:
0x1e2: {  	(xrf2) =	vadd.scan.msk.f32 $0xffff, v10;
	(pc) =	sbr.rel @p0 .LBB2_12-.Ltmp4, $2  }
0x1e3: {  	_ =	sdelay $0x2  }
0x1e4: {  	v10, _, _ =	vpop (xrf2)  }
0x1e5: {  	_ =	sdelay $0x2  }
0x1e6: {  	v11 =	vmov s6  }
0x1e7: {  	v12 =	vld.idx.msk [tilespmem:v8+s23+$0x0], $0xffff;
	v11 =	vshll.u32 v11, $0x3  }
0x1e8: {  	v8 =	vld.idx.msk [tilespmem:v8+s24+$0x0], $0xffff;
	v13, _, _ =	vpop (xrf2);
	v11 =	vor.u32 v6, v11  }
0x1e9: {  	v13 =	vbroadcast v13, $0xF;
	v14 =	vor.u32 $0x1, v11  }
0x1ea: {  	v10 =	vbroadcast v10, $0xF;
	v15 =	vor.u32 $0x2, v11;
	v16, _, _ =	vpop (xrf2)  }
0x1eb: {  	v9 =	vsub.f32 v9, v13;
	v51 =	vbroadcast v16, $0xF  }
0x1ec: {  	v10 =	vsub.f32 v12, v10  }
0x1ed: {  	[tilespmem:v11+s28+$0x0] =	vst.idx.msk $0xffff, v9;
	v8 =	vsub.f32 v8, v51  }
0x1ee: {  	[tilespmem:v14+s28+$0x0] =	vst.idx.msk $0xffff, v10  }
0x1ef: {  	[tilespmem:v15+s28+$0x0] =	vst.idx.msk $0xffff, v8  }
0x1f0: {  	v8 =	vld [tilespmem:s5+$0x0];
	_ =	sdelay $0x4  }
0x1f1: {  	v52 =	vadd.s32 v0, v8  }
0x1f2: {  	[tilespmem:s4+$0x0] =	vst v52  }
0x1f3: {  	v9 =	vld [tilespmem:s9+$0x8300]  }
0x1f4: {  	v10 =	vld [tilespmem:s9+$0x8280];
	_ =	sdelay $0x1  }
0x1f5: {  	v11 =	vld [tilespmem:s9+$0x8380];
	_ =	sdelay $0x1  }
0x1f6: {  	v9 =	vnsel vm0, $0x0, v9  }
0x1f7: {  	v53 =	vnsel vm0, $0x0, v10;
	(xrf2) =	vadd.scan.msk.f32 $0xffff, v9  }
0x1f8: {  	(xrf2) =	vadd.scan.msk.f32 $0xffff, v53  }
0x1f9: {  	v54 =	vnsel vm0, $0x0, v11  }
0x1fa: {  	(xrf2) =	vadd.scan.msk.f32 $0xffff, v54;
	_ =	sdelay $0x5  }
0x1fb: {  	v56 =	vmov s2;
	v55 =	vld.idx.msk [tilespmem:v8+s21+$0x0], $0xffff  }
0x1fc: {  	v58 =	vld.idx.msk [tilespmem:v8+s23+$0x0], $0xffff;
	v10 =	vshll.u32 v56, $0x3;
	v57, _, _ =	vpop (xrf2)  }
0x1fd: {  	v8 =	vld.idx.msk [tilespmem:v8+s24+$0x0], $0xffff;
	v10 =	vor.u32 v6, v10;
	v59, _, _ =	vpop (xrf2)  }
0x1fe: {  	v60 =	vor.u32 $0x1, v10;
	v13 =	vbroadcast v59, $0xF  }
0x1ff: {  	v61 =	vor.u32 $0x2, v10;
	v11 =	vbroadcast v57, $0xF;
	v62, _, _ =	vpop (xrf2)  }
0x200: {  	v63 =	vbroadcast v62, $0xF;
	v9 =	vsub.f32 v55, v13  }
0x201: {  	v11 =	vsub.f32 v58, v11  }
0x202: {  	v8 =	vsub.f32 v8, v63;
	[tilespmem:v10+s28+$0x0] =	vst.idx.msk $0xffff, v9  }
0x203: {  	s0 =	rddreg [dreg:$0x8];
	s17 =	simm.s32 $0x40;
	[tilespmem:v60+s28+$0x0] =	vst.idx.msk $0xffff, v11  }
0x204: {  	s18 =	simm.s32 $0x8480;
	s19 =	simm.s32 $0x8500;
	s20 =	simm.s32 $0x1;
	[tilespmem:v61+s28+$0x0] =	vst.idx.msk $0xffff, v8  }
0x205: {  	[tilespmem:s19], [sflag:$0x1] =	stream.indirect.gather [hbm4b:s0+s17], $0x80, s18, s17, $0xb8;
	[tilespmem:$0xC880] =	vst v63  }
0x206: {  	_ =	swait.ge [sflag:s20], $0x2000  }
0x207: {  	s12 =	sadd.s32 $0x1, s12;
	s22 =	rddreg [dreg:$0x1c]  }
0x208: {  	[sflag:s20] =	ssyncset.done $0x0;
	s26 =	rddreg [dreg:$0x9];
	s25 =	sshll.u32 s22, $0xA  }
0x209: {  	s4 =	simm.s32 $0x2;
	[sflag:s20] =	ssyncadd.s32 $0xFFFFE000;
	s0 =	sadd.s32 s26, s25  }
0x20a: {  	[hbm4b:s0+s13] =	stream.linear.scatter [tilespmem:s19], [sflag:$0x2], $0x2000, $0x38;
	[tilespmem:$0xC880] =	vst v63  }
0x20b: {  	p0 =	sne.s32 s12, $0x10;
	_ =	swait.ge [sflag:s4], $0x2000  }
0x20c: {  	s29 =	sshll.u32 s22, $0x6;
	[sflag:s4] =	ssyncset.done $0x0;
	s30 =	rddreg [dreg:$0xa]  }
.Ltmp5:
0x20d: {  	[sflag:s4] =	ssyncadd.s32 $0xFFFFE000;
	s0 =	sadd.s32 s30, s29;
	(pc) =	sbr.rel @p0 .LBB2_3-.Ltmp5, $4  }
0x20e: {  	[hbm4b:s0+s13] =	stream.linear.scatter [tilespmem:s28], [sflag:$0x2], $0x200, $0x38;
	[tilespmem:$0xC880] =	vst v63  }
0x20f: {  	_ =	swait.ge [sflag:s4], $0x200  }
0x210: {  	s31 =	sadd.s32 s1, s3;
	[sflag:s4] =	ssyncset.done $0x0  }
0x211: {  	s2 =	simm.s32 $0x0;
	v7 =	vsel vm0, s31, v7;
	[sflag:s4] =	ssyncadd.s32 $0xFFFFFE00  }
0x212: {  	s1 =	rddreg [dreg:$0x1a]  }
0x213: {  	s1 =	sadd.s32 $0x1, s1  }
0x214: {  	p0 =	sne.s32 s1, $0x8  }
.Ltmp6:
0x215: {  	_ = 	snop;
	(pc) =	sbr.rel @p0 .LBB2_2-.Ltmp6, $3  }
0x216: {  	_ =	sdelay $0x1  }
0x217: {  	s0 =	sand.u32 $0x3FFFFFF0, s9  }
0x218: {  	[tilespmem:s0+$0xA700] =	vst v7  }
0x219: {  	s0 =	rddreg [dreg:$0x17];
	s1 =	simm.s32 $0xA700  }
0x21a: {  	[hbm4b:s0+s13] =	stream.linear.scatter [tilespmem:s1], [sflag:$0x2], $0x80, $0x38;
	[tilespmem:$0xC880] =	vst v63  }
0x21b: {  	_ =	swait.ge [sflag:s4], $0x80  }
0x21c: {  	s30 =	rddreg [dreg:$0x19]  }
0x21d: {  	s31 =	rddreg [dreg:$0x18];
	s1 =	sadd.s32 $0x1, s30  }
0x21e: {  	p0 =	sne.s32 s1, s31  }
.Ltmp7:
0x21f: {  	_ = 	snop;
	(pc) =	sbr.rel @p0 .LBB2_1-.Ltmp7, $3  }
0x220: {  	_ =	sdelay $0x1  }
0x221: {  	[sflag:s4] =	ssyncset.done $0x0  }
0x222: {  	[sflag:s4] =	ssyncadd.s32 $0xFFFFFF80  }
0x223: {  	_ =	sfence.sel $0x180000  }
0x224: {  	[bflag:$0x0] =	sbarrier.arrive $0xFFFF  }
0x225: {  	_ =	strace $0x9000004A  }
0x226: {  	s0 =	stileid.u32;
	[bflag:$0x2] =	sbarrier.arrive $0xFFFF  }
0x227: {  	p0 =	sne.s32 s0, $0x0;
	s0 =	rddreg [dreg:$0x6]  }
0x228: {  	s0 =	sadd.s32 @!p0 $0x100000, s0  }
0x229: {  	[sflag:s0] =	ssyncadd.tile.s32 @!p0 $0x1;
	_ =	shalt  }
.Lfunc_end2:
_tile_overlayer_lowered:
.L_overlay_start_2:
0x22a: {  	(tag) =	ssettag $0x2  }
0x22b: {  	s0 =	rddreg [dreg:$0x0];
	s2 =	stileid.u32  }
0x22c: {  	s1 =	rddreg [dreg:$0x1];
	p0 =	sne.s32 s2, $0x0  }
0x22d: {  	s3 =	rddreg [dreg:$0x2];
	[bflag:$0x3] =	sbarrier.arrive $0xFFFF;
	s2 =	simm.s32 @!p0 $0x1C02  }
0x22e: {  	[timem:s3], [sflag:s2] =	dma.local @!p0 [hbm:s0], s1  }
0x22f: {  	s0 =	simm.s32 @!p0 $0x2  }
0x230: {  	_ =	swait.ge @!p0 [sflag:s0], s1  }
0x231: {  	s1 =	ssub.s32 @!p0 $0x0, s1;
	[sflag:s0] =	ssyncset.done @!p0 $0x0  }
0x232: {  	[sflag:s0] =	ssyncadd.s32 @!p0 s1  }
0x233: {  	[bflag:$0x3] =	sbarrier.arrive $0xFFFF  }
0x234: {  	_ =	shalt  }

// kernel: sparse-core-data-format-call.cloned.1.call-start
scs
called_computation_lowered:
.L_overlay_start_0:
0x0: {  	s1 =	sld [smem:$0x3FD9]  }
0x1: {  	s2 =	sld [smem:$0x3FFE];
	_ =	sdelay $0x1  }
0x2: {  	s3 =	srdreg.scid  }
0x3: {  	s0 =	sand.u32 $0x1, s3  }
0x4: {  	s17 =	sshll.u32 s0, $0xA;
	s1 =	sadd.s32 s2, s1  }
0x5: {  	s1 =	sadd.s32 s1, s17  }
0x6: {  	[smem:$0x3FC0] =	sst s1  }
0x7: {  	_ = 	snop  }
0x8: {  	(tm) =	ssettm $0x1  }
0x9: {  	s18 =	sld [smem:$0x3FFB];
	_ =	sdelay $0x3  }
0xa: {  	_ =	strace s18  }
0xb: {  	s1 =	sld [smem:$0x3FFC];
	_ =	sdelay $0x3  }
0xc: {  	_ =	strace s1  }
0xd: {  	s1 =	sld [smem:$0x3FFD];
	_ =	sdelay $0x3  }
0xe: {  	_ =	strace s1  }
0xf: {  	_ =	strace $0x8FFFFFFF  }
0x10: {  	s19 =	sld [smem:$0x3FDB];
	_ =	sdelay $0x1  }
0x11: {  	s20 =	simm.s32 $_scs_section_size  }
0x12: {  	s4 =	simm.s32 $_size__tile_overlayer_lowered;
	s5 =	simm.s32 $_tile_overlayer_lowered  }
0x13: {  	s23 =	simm.s32 $0x1BFF;
	s22 =	sshll.u32 s5, $0x1;
	s1 =	sadd.s32 s20, s19  }
0x14: {  	s6 =	simm.s32 $0x0;
	s21 =	sshll.u32 s4, $0x1;
	s4 =	sadd.s32 s22, s1  }
0x15: {  	[timem:s6], [sflag:s23] =	dma.local [hbm:s4], s21  }
0x16: {  	_ =	swait.ge [sflag:s23], s21  }
0x17: {  	s2 =	ssub.s32 $0x0, s21;
	[sflag:s23] =	ssyncset.done $0x0  }
0x18: {  	[sflag:s23] =	ssyncadd.s32 s2;
	_ =	sdelay $0x1  }
0x19: {  	s24 =	simm.s32 $0x1B8B  }
0x1a: {  	_ =	swait.ge [sflag:s24], $0x1  }
0x1b: {  	[sflag:s24] =	ssyncset.done $0x0  }
0x1c: {  	s26 =	simm.s32 $0x1B8E;
	s25 =	sld [smem:$0x3FFE];
	[sflag:s24] =	ssyncadd.s32 $0xFFFFFFFF  }
0x1d: {  	s27 =	simm.s32 $execute0_lowered;
	[smem:$0x3FD2] =	sst s26  }
0x1e: {  	s4 =	sshll.u32 s27, $0x1;
	_ =	strace $0x80000046;
	[dreg:$0x1] =	wrdreg $0xFFFFFFFF  }
0x1f: {  	s28 =	simm.s32 $_size_execute0_lowered;
	s1 =	sadd.s32 s1, s4;
	[dreg:$0x0] =	wrdreg $0x0  }
0x20: {  	s4 =	sshll.u32 s28, $0x1;
	[dreg:$0x2] =	wrdreg s1  }
0x21: {  	[dreg:$0x3] =	wrdreg s4  }
0x22: {  	[dreg:$0x4] =	wrdreg $0xC0  }
0x23: {  	_ =	task [dreg:s6], $0x5FFFF  }
0x24: {  	[dreg:$0x1] =	wrdreg $0xFFFFFFFF  }
0x25: {  	[dreg:$0x0] =	wrdreg $0x60  }
0x26: {  	[dreg:$0x2] =	wrdreg s25  }
0x27: {  	[dreg:$0x3] =	wrdreg $0x9  }
0x28: {  	_ =	task.clear_ibuf [dreg:s6], $0x4FFFF;
	_ =	strace $0x90000046  }
0x29: {  	s29 =	simm.s32 $0x9;
	_ =	strace $0x80000048  }
0x2a: {  	_ =	swait.ge [sflag:s29], $0x1  }
0x2b: {  	[sflag:s29] =	ssyncadd.s32 $0xFFFFFFFF  }
0x2c: {  	_ =	strace $0x90000048  }
0x2d: {  	_ =	sfence  }
0x2e: {  	s30 =	sld [smem:$0x0];
	_ =	sdelay $0x2  }
0x2f: {  	s31 =	sshll.u32 s3, $0xD;
	s3 =	sshrl.u32 s3, $0x2  }
0x30: {  	s2 =	sand.u32 $0x4000, s31;
	s1 =	sadd.s32 s3, s30  }
0x31: {  	s0 =	sor.u32 s2, s0;
	s1 =	sshll.u32 s1, $0x11  }
0x32: {  	s0 =	sor.u32 s1, s0  }
0x33: {  	s0 =	sadd.s32 $0x8F2B, s0  }
0x34: {  	[sflag:s0] =	ssyncadd.remote.s32 $0x1  }
0x35: {  	_ =	sfence.sel $0xFFFF  }
0x36: {  	[dreg:$0x0] =	wrdreg $0xFFFFFFFF;
	(pc) =	sbr.abs _section_cstart, $3  }
0x37: {  	[dreg:$0x1] =	wrdreg $0xFFFFFFFF  }
0x38: {  	_ =	task.clear_ibuf [dreg:s6], $0x2FFFF;
	_ =	strace $0x9FFFFFFF  }
0x39: {  	(tm) =	ssettm $0x7FFFFFFF  }
tec
execute0_lowered:
.L_overlay_start_1:
0x0: {  	(tag) =	ssettag $0x1  }
0x1: {  	s1 =	rddreg [dreg:$0x0]  }
0x2: {  	s0 =	rddreg [dreg:$0x1]  }
0x3: {  	_ =	strace $0x80000047;
	s4 =	srdreg.scid;
	s6 =	simm.s32 $0x2  }
0x4: {  	s11 =	simm.s32 $0x0;
	p0 =	por $0x0, $0x0;
	s7 =	simm.s32 $0x1000  }
.Ltmp0:
0x5: {  	s12 =	simm.s32 $0x0;
	s9 =	simm.s32 $0x0;
	(pc) =	sbr.rel .LBB1_1-.Ltmp0, $4  }
0x6: {  	s2 =	sadd.s32 $0x4C00, s1;
	s3 =	sadd.s32 $0x204C00, s1;
	s5 =	sshll.u32 s4, $0x4  }
0x7: {  	s1 =	stileid.u32;
	s4 =	simm.s32 $0x1;
	s5 =	sand.u32 $0x10, s5  }
0x8: {  	s8 =	simm.s32 $0x0;
	[sflag:s4] =	ssyncpa.u1 $0x0;
	s5 =	sor.u32 s1, s5  }
0x9: {  	[sflag:s6] =	ssyncpa.u1 $0x0;
	s6 =	simm.s32 $0x800;
	s10 =	smov.u32 s5  }
.LBB1_7:
0xa: {  	s13 =	sadd.s32 $0x10, s9  }
0xb: {  	s11 =	sadd.s32 $0x20, s10;
	s15 =	smov.u32 s10;
	p2 =	sgt.s32 s13, $0x1F  }
0xc: {  	p1 =	slt.u32 s8, $0x2;
	s15 =	smov.u32 @p2 s11  }
0xd: {  	s8 =	sadd.s32 $0x1, s8;
	s13 =	simm.s32 @p2 $0x0;
	p2 =	sgt.s32 s15, $0x1FF  }
0xe: {  	s15 =	smov.u32 @p2 s5;
	p2 =	sne.s32 s8, $0x22  }
.Ltmp1:
0xf: {  	_ = 	snop;
	(pc) =	sbr.rel @!p2 .LBB1_8-.Ltmp1, $4  }
0x10: {  	s14 =	simm.s32 @!p1 $0x2  }
0x11: {  	s12 =	smov.u32 s10;
	_ =	swait.ge @!p1 [sflag:s14], $0x4000  }
0x12: {  	p0 =	por !p0, !p0;
	s11 =	smov.u32 s9;
	[sflag:s14] =	ssyncset.done @!p1 $0x0  }
0x13: {  	s9 =	smov.u32 s13;
	[sflag:s14] =	ssyncadd.s32 @!p1 $0xFFFFC000;
	s10 =	smov.u32 s15  }
.LBB1_1:
0x14: {  	p1 =	sgt.u32 s8, $0x1F  }
0x15: {  	s13 =	sxor.u32 @!p1 $0xFFFFFFFF, s8;
	s14 =	sshll.u32 @!p1 s10, $0xC  }
0x16: {  	s15 =	sshll.u32 @!p1 s9, $0x7;
	s13 =	sshll.u32 @!p1 s13, $0xE;
	s14 =	sadd.s32 @!p1 s2, s14  }
0x17: {  	s13 =	sand.u32 @!p1 $0x4000, s13;
	s14 =	sadd.s32 @!p1 s15, s14;
	s15 =	simm.s32 @!p1 $0x0  }
0x18: {  	[tilespmem:s13], [sflag:$0x1] =	stream.linear.gather @!p1 [hbm4b:s14+s15], $0x4000, $0x38;
	[tilespmem:$0x10000] =	vst v63  }
0x19: {  	p1 =	seq.s32 s8, $0x0  }
0x1a: {  	p2 =	seq.s32 @!p1 s8, $0x21  }
0x1b: {  	p1 =	por p1, p2  }
.Ltmp2:
0x1c: {  	_ = 	snop;
	(pc) =	sbr.rel @p1 .LBB1_7-.Ltmp2, $1  }
0x1d: {  	_ =	sdelay $0x3  }
0x1e: {  	s13 =	simm.s32 $0x1;
	_ =	swait.ge [sflag:s4], $0x4000;
	s16 =	sshll.u32 s8, $0xE  }
0x1f: {  	s13 =	simm.s32 @!p0 $0x0;
	[sflag:s4] =	ssyncset.done $0x0;
	s31 =	sand.u32 $0x4000, s16  }
0x20: {  	s16 =	simm.s32 $0x0;
	s14 =	sshll.u32 s13, $0xE;
	[sflag:s4] =	ssyncadd.s32 $0xFFFFC000  }
0x21: {  	s13 =	sor.u32 $0x8040, s14;
	s15 =	sor.u32 $0x40, s14;
	s14 =	sor.u32 $0x8000, s31  }
.LBB1_3:
0x22: {  	v0 =	vmov s15;
	_ =	sdelay $0x3  }
0x23: {  	s18 =	simm.s32 $0x0  }
0x24: {  	v6 =	vld.idx.msk [tilespmem:v0+s18+$0x30 ss:$0x1], $0xffff  }
0x25: {  	v7 =	vld.idx.msk [tilespmem:v0+s18+$0xFFFFFFC0 ss:$0x1], $0xffff  }
0x26: {  	v5 =	vld.idx.msk [tilespmem:v0+s18+$0xFFFFFFD0 ss:$0x1], $0xffff  }
0x27: {  	v4 =	vld.idx.msk [tilespmem:v0+s18+$0xFFFFFFE0 ss:$0x1], $0xffff  }
0x28: {  	v3 =	vld.idx.msk [tilespmem:v0+s18+$0xFFFFFFF0 ss:$0x1], $0xffff  }
0x29: {  	v1 =	vld.idx.msk [tilespmem:v0+s18+$0x0 ss:$0x1], $0xffff  }
0x2a: {  	v2 =	vld.idx.msk [tilespmem:v0+s18+$0x10 ss:$0x1], $0xffff;
	[tilespmem:s13+$0x30] =	vst v6  }
0x2b: {  	s17 =	simm.s32 $0x80;
	s19 =	simm.s32 $0x400;
	[tilespmem:s13+$0xFFFFFFC0] =	vst v7;
	v6 =	vld.idx.msk [tilespmem:v0+s18+$0x20 ss:$0x1], $0xffff;
	s18 =	smov.u32 s13  }
.LBB1_4:
0x2c: {  	p1 =	sne.s32 s19, $0xE00;
	v7 =	vld.idx.msk [tilespmem:v0+s17+$0x30 ss:$0x1], $0xffff;
	[tilespmem:s18+$0xFFFFFFD0] =	vst v5  }
0x2d: {  	v8 =	vld.idx.msk [tilespmem:v0+s17+$0xFFFFFFC0 ss:$0x1], $0xffff;
	[tilespmem:s18+$0xFFFFFFE0] =	vst v4  }
0x2e: {  	v5 =	vld.idx.msk [tilespmem:v0+s17+$0xFFFFFFD0 ss:$0x1], $0xffff;
	[tilespmem:s18+$0xFFFFFFF0] =	vst v3  }
.Ltmp3:
0x2f: {  	v4 =	vld.idx.msk [tilespmem:v0+s17+$0xFFFFFFE0 ss:$0x1], $0xffff;
	[tilespmem:s18+$0x0] =	vst v1;
	(pc) =	sbr.rel @p1 .LBB1_4-.Ltmp3, $4  }
0x30: {  	v3 =	vld.idx.msk [tilespmem:v0+s17+$0xFFFFFFF0 ss:$0x1], $0xffff;
	[tilespmem:s18+$0x10] =	vst v2  }
0x31: {  	v1 =	vld.idx.msk [tilespmem:v0+s17+$0x0 ss:$0x1], $0xffff;
	[tilespmem:s18+$0x20] =	vst v6;
	s18 =	sadd.s32 $0x800, s18  }
0x32: {  	v2 =	vld.idx.msk [tilespmem:v0+s17+$0x10 ss:$0x1], $0xffff;
	[tilespmem:s18+$0x30] =	vst v7  }
0x33: {  	[tilespmem:s18+$0xFFFFFFC0] =	vst v8;
	v6 =	vld.idx.msk [tilespmem:v0+s17+$0x20 ss:$0x1], $0xffff;
	s17 =	sshra.s32 s19, $0x2;
	s19 =	sadd.s32 $0x200, s19  }
0x34: {  	_ =	sdelay $0x2  }
0x35: {  	[tilespmem:s18+$0xFFFFFFD0] =	vst v5  }
0x36: {  	v56 =	vld.idx.msk [tilespmem:v0+s17+$0x30 ss:$0x1], $0xffff;
	[tilespmem:s18+$0xFFFFFFE0] =	vst v4  }
0x37: {  	v57 =	vld.idx.msk [tilespmem:v0+s17+$0xFFFFFFC0 ss:$0x1], $0xffff;
	[tilespmem:s18+$0xFFFFFFF0] =	vst v3  }
0x38: {  	v58 =	vld.idx.msk [tilespmem:v0+s17+$0xFFFFFFD0 ss:$0x1], $0xffff;
	[tilespmem:s18+$0x0] =	vst v1  }
0x39: {  	v59 =	vld.idx.msk [tilespmem:v0+s17+$0xFFFFFFE0 ss:$0x1], $0xffff;
	[tilespmem:s18+$0x10] =	vst v2  }
0x3a: {  	v60 =	vld.idx.msk [tilespmem:v0+s17+$0xFFFFFFF0 ss:$0x1], $0xffff;
	s31 =	sadd.s32 $0x800, s18;
	[tilespmem:s18+$0x20] =	vst v6  }
0x3b: {  	v61 =	vld.idx.msk [tilespmem:v0+s17+$0x0 ss:$0x1], $0xffff;
	[tilespmem:s31+$0x30] =	vst v56  }
0x3c: {  	v62 =	vld.idx.msk [tilespmem:v0+s17+$0x10 ss:$0x1], $0xffff;
	s16 =	sadd.s32 $0x1, s16;
	[tilespmem:s31+$0xFFFFFFC0] =	vst v57  }
0x3d: {  	v63 =	vld.idx.msk [tilespmem:v0+s17+$0x20 ss:$0x1], $0xffff;
	p1 =	sne.s32 s16, $0x10;
	[tilespmem:s31+$0xFFFFFFD0] =	vst v58  }
.Ltmp4:
0x3e: {  	[tilespmem:s31+$0xFFFFFFE0] =	vst v59;
	(pc) =	sbr.rel @p1 .LBB1_3-.Ltmp4, $4  }
0x3f: {  	[tilespmem:s31+$0xFFFFFFF0] =	vst v60  }
0x40: {  	[tilespmem:s31+$0x0] =	vst v61  }
0x41: {  	[tilespmem:s31+$0x10] =	vst v62  }
0x42: {  	s13 =	sadd.s32 $0x80, s13;
	s15 =	sadd.s32 $0x400, s15;
	[tilespmem:s31+$0x20] =	vst v63  }
.Ltmp5:
0x43: {  	(pc) =	sbr.rel .LBB1_7-.Ltmp5, $4  }
0x44: {  	s12 =	sshll.u32 s12, $0xC;
	s11 =	sshll.u32 s11, $0x4  }
0x45: {  	s11 =	sand.u32 $0x1F0, s11;
	s12 =	sadd.s32 s3, s12  }
0x46: {  	s11 =	sadd.s32 s11, s12  }
0x47: {  	[hbm4b:s11+s6] =	stream.strided.scatter [tilespmem:s14], [sflag:$0x2], $0x4000, s7, s6, $0x38;
	[tilespmem:$0x10000] =	vst v63  }
.LBB1_8:
0x48: {  	_ =	sfence.sel $0x180000  }
0x49: {  	s2 =	simm.s32 $0x1;
	[bflag:$0x0] =	sbarrier.arrive $0xFFFF  }
0x4a: {  	s31 =	simm.s32 $0x2;
	[sflag:s2] =	ssyncpa.u1 $0x1  }
0x4b: {  	[sflag:s31] =	ssyncpa.u1 $0x1  }
0x4c: {  	p0 =	sne.s32 s1, $0x0;
	_ =	strace $0x90000047  }
0x4d: {  	s0 =	sadd.s32 @!p0 $0x100000, s0;
	[bflag:$0x2] =	sbarrier.arrive $0xFFFF  }
0x4e: {  	[sflag:s0] =	ssyncadd.tile.s32 @!p0 $0x1;
	_ =	shalt  }
.Lfunc_end1:
_tile_overlayer_lowered:
.L_overlay_start_2:
0x4f: {  	(tag) =	ssettag $0x2  }
0x50: {  	s0 =	rddreg [dreg:$0x0];
	s2 =	stileid.u32  }
0x51: {  	s1 =	rddreg [dreg:$0x1];
	p0 =	sne.s32 s2, $0x0  }
0x52: {  	s3 =	rddreg [dreg:$0x2];
	[bflag:$0x3] =	sbarrier.arrive $0xFFFF;
	s2 =	simm.s32 @!p0 $0x1C01  }
0x53: {  	[timem:s3], [sflag:s2] =	dma.local @!p0 [hbm:s0], s1  }
0x54: {  	s0 =	simm.s32 @!p0 $0x1  }
0x55: {  	_ =	swait.ge @!p0 [sflag:s0], s1  }
0x56: {  	s1 =	ssub.s32 @!p0 $0x0, s1;
	[sflag:s0] =	ssyncset.done @!p0 $0x0  }
0x57: {  	[sflag:s0] =	ssyncadd.s32 @!p0 s1  }
0x58: {  	[bflag:$0x3] =	sbarrier.arrive $0xFFFF  }
0x59: {  	_ =	shalt  }

</sc_bundles>
